<compile_context>
chip_gen: v7x
topology: tpu7x:2x2x1
jax: 0.10.2.dev20260603
libtpu: 0.0.44.dev20260713+nightly
codegen_flags: <defaults>
</compile_context>

<pallas_src>
import dataclasses
import functools

import jax
import jax.numpy as jnp
from jax import lax
from jax.experimental import pallas as pl
from jax.experimental.pallas import tpu as pltpu
from jax.experimental.pallas import tpu_sc as plsc

B, N, K, D_IN, D_OUT = 4, 8192, 16, 4, 16
NEG = 0.2
TILE = 2048
M = 3 * TILE
NW = 32


def _sc_gather(pts, idx_t, nb):
    pw = nb * N // NW
    nch = pw // 16
    nwb = N // pw
    mesh = plsc.VectorSubcoreMesh(core_axis_name="c", subcore_axis_name="s")
    cp = pltpu.CompilerParams()
    if "needs_layout_passes" in pltpu.CompilerParams.__dataclass_fields__:
        cp = dataclasses.replace(cp, needs_layout_passes=False)

    @functools.partial(
        pl.kernel,
        mesh=mesh,
        compiler_params=cp,
        out_type=jax.ShapeDtypeStruct((nb, K, 3, N), jnp.float32),
        scratch_types=[
            pltpu.VMEM((N * 3,), jnp.float32),
            pltpu.VMEM((K, pw), jnp.int32),
            pltpu.VMEM((K, 3, pw), jnp.float32),
        ],
    )
    def gather_kernel(pts_hbm, idx_hbm, out_hbm, pts_v, idx_v, out_v):
        w = lax.axis_index("s") * 2 + lax.axis_index("c")
        b = w // nwb
        n0 = (w % nwb) * pw
        pltpu.sync_copy(pts_hbm.at[b], pts_v)
        pltpu.sync_copy(idx_hbm.at[b, :, pl.ds(n0, pw)], idx_v)

        @pl.loop(0, nch)
        def _(c):
            c0 = c * 16
            for kk in range(K):
                rows = idx_v[kk, pl.ds(c0, 16)]
                flat = rows * 3
                for t in range(3):
                    out_v[kk, t, pl.ds(c0, 16)] = plsc.load_gather(
                        pts_v, [flat + t])

        pltpu.sync_copy(out_v, out_hbm.at[b, :, :, pl.ds(n0, pw)])

    return gather_kernel(pts, idx_t)


def _leaky_big(x, wdb):
    d = jnp.dot(wdb, x, preferred_element_type=jnp.float32)
    x3 = x.reshape(K, K, M)
    d3 = d.reshape(K, K, M)
    dot = jnp.sum(x3 * d3, axis=0, keepdims=True)
    dns = jnp.sum(d3 * d3, axis=0, keepdims=True)
    f = jnp.where(dot >= 0, 0.0, (1.0 - NEG) * dot / (dns + 1e-7))
    return (x3 - f * d3).reshape(K * K, M)


def _leaky_small(x, wd):
    d = jnp.dot(wd, x, preferred_element_type=jnp.float32)
    dot = jnp.sum(x * d, axis=0, keepdims=True)
    dns = jnp.sum(d * d, axis=0, keepdims=True)
    f = jnp.where(dot >= 0, 0.0, (1.0 - NEG) * dot / (dns + 1e-7))
    return x - f * d


def _tc_body(ngb_ref, ctr_ref, w1b_ref, wd1b_ref, wattb_ref, wmlp_ref,
             wd2_ref, out_ref):
    ngb = ngb_ref[0].reshape(K, M)
    ctrb = jnp.broadcast_to(ctr_ref[...], (K, 3, TILE)).reshape(K, M)
    rel = ctrb - ngb
    rel2 = rel * rel
    dis = jnp.sqrt(rel2[:, :TILE] + rel2[:, TILE:2 * TILE] + rel2[:, 2 * TILE:])
    disb = jnp.concatenate([dis, dis, dis], axis=1)
    feat = jnp.concatenate([disb, rel, ctrb, ngb], axis=0)

    x = jnp.dot(w1b_ref[...], feat, preferred_element_type=jnp.float32)
    x = _leaky_big(x, wd1b_ref[...])

    att = jnp.dot(wattb_ref[...], x, preferred_element_type=jnp.float32)
    a3 = att.reshape(K, K, M)
    e = jnp.exp(a3 - jnp.max(a3, axis=1, keepdims=True))
    agg = jnp.sum(x.reshape(K, K, M) * e, axis=1) / jnp.sum(e, axis=1)

    o = jnp.dot(wmlp_ref[...], agg, preferred_element_type=jnp.float32)
    o = _leaky_small(o, wd2_ref[...])
    out_ref[...] = o.reshape(1, D_OUT, 3, TILE)


def _tc_call(ngb, ctr_t, w1b, wd1b, wattb, Wmlp, Wd2, nb):
    return pl.pallas_call(
        _tc_body,
        grid=(nb, N // TILE),
        in_specs=[
            pl.BlockSpec((1, K, 3, TILE), lambda b, i: (b, 0, 0, i)),
            pl.BlockSpec((1, 3, TILE), lambda b, i: (b, 0, i)),
            pl.BlockSpec((K * D_OUT, K * D_IN), lambda b, i: (0, 0)),
            pl.BlockSpec((K * D_OUT, K * D_OUT), lambda b, i: (0, 0)),
            pl.BlockSpec((K * D_OUT, K * D_OUT), lambda b, i: (0, 0)),
            pl.BlockSpec((D_OUT, D_OUT), lambda b, i: (0, 0)),
            pl.BlockSpec((D_OUT, D_OUT), lambda b, i: (0, 0)),
        ],
        out_specs=pl.BlockSpec((1, D_OUT, 3, TILE), lambda b, i: (b, 0, 0, i)),
        out_shape=jax.ShapeDtypeStruct((nb, D_OUT, 3, N), jnp.float32),
        compiler_params=pltpu.CompilerParams(
            dimension_semantics=("parallel", "parallel")),
    )(ngb, ctr_t, w1b, wd1b, wattb, Wmlp, Wd2)


@jax.jit
def kernel(pts_xyz, neigh_idx, W1, Wd1, Watt, Wmlp, Wd2):
    idx_t = neigh_idx.astype(jnp.int32).transpose(0, 2, 1)
    pts_f = pts_xyz.reshape(B, N * 3)
    ctr_t = pts_xyz.transpose(0, 2, 1)

    eye = jnp.eye(K, dtype=jnp.float32)
    w1b = jnp.kron(W1, eye)
    wd1b = jnp.kron(Wd1, eye)
    wattb = jnp.kron(Watt, eye)

    ngb = _sc_gather(pts_f, idx_t, B)
    out = _tc_call(ngb, ctr_t, w1b, wd1b, wattb, Wmlp, Wd2, B)
    return out.transpose(0, 3, 1, 2)

# --- scband reference (transcript-rebuilt; emitter-appended) ---
"""Pipeline reference for scband-network-66726611911212 (READ-ONLY COPY).

The authoritative reference and input builder live on the scoring server;
editing this copy changes nothing except your own understanding.
"""

import jax, jax.numpy as jnp
import numpy as np

NEG_SLOPE = 0.2

def vn_linear(x, W):
    # x: [..., C, 3], W: [O, C] -> [..., O, 3]
    return jnp.einsum('...ct,oc->...ot', x, W)

def vn_leaky_relu(x, Wd):
    d = vn_linear(x, Wd)
    dot = jnp.sum(x * d, axis=-2, keepdims=True)
    mask = (dot >= 0).astype(x.dtype)
    dns = jnp.sum(d * d, axis=-2, keepdims=True)
    return NEG_SLOPE * x + (1.0 - NEG_SLOPE) * (mask * x + (1.0 - mask) * (x - dot / (dns + 1e-07) * d))

def vn_gather_neighbour(pc, neigh_idx):
    # pc: [B, N, d, 3], neigh_idx: [B, N, k] -> [B, N, k, d, 3]
    B, N, d, _ = pc.shape
    k = neigh_idx.shape[-1]
    flat = neigh_idx.reshape(B, N * k)
    g = jax.vmap(lambda p, i: p[i])(pc, flat)
    return g.reshape(B, N, k, d, 3)

def setup_inputs(seed: int = 0) -> dict:
    key = jax.random.key(seed)
    ks = jax.random.split(key, 8)
    B, N, K, D_IN, D_OUT = 4, 8192, 16, 4, 16
    pts_xyz = jax.random.normal(ks[0], (B, N, 3), dtype=jnp.float32)
    neigh_idx = jax.random.randint(ks[1], (B, N, K), 0, N, dtype=jnp.int64 if jax.config.read('jax_enable_x64') else jnp.int32)
    s1 = 1.0 / np.sqrt(D_IN)
    s2 = 1.0 / np.sqrt(D_OUT)
    W1 = jax.random.uniform(ks[2], (D_OUT, D_IN), jnp.float32, -s1, s1)
    Wd1 = jax.random.uniform(ks[3], (D_OUT, D_OUT), jnp.float32, -s2, s2)
    Watt = jax.random.uniform(ks[4], (D_OUT, D_OUT), jnp.float32, -s2, s2)
    Wmlp = jax.random.uniform(ks[5], (D_OUT, D_OUT), jnp.float32, -s2, s2)
    Wd2 = jax.random.uniform(ks[6], (D_OUT, D_OUT), jnp.float32, -s2, s2)
    return {'pts_xyz': pts_xyz, 'neigh_idx': neigh_idx, 'W1': W1, 'Wd1': Wd1, 'Watt': Watt, 'Wmlp': Wmlp, 'Wd2': Wd2}

def reference(pts_xyz, neigh_idx, W1, Wd1, Watt, Wmlp, Wd2):
    # vn_relative_pos_encoding
    vn = pts_xyz[:, :, None, :]                         # [B, N, 1, 3]
    neighbor_xyz = vn_gather_neighbour(vn, neigh_idx)   # [B, N, k, 1, 3]
    xyz_tile = jnp.broadcast_to(vn[:, :, None], neighbor_xyz.shape)
    relative_xyz = xyz_tile - neighbor_xyz
    relative_dis = jnp.sqrt(jnp.sum(relative_xyz ** 2, axis=-1, keepdims=True))
    relative_dis = jnp.broadcast_to(relative_dis, relative_xyz.shape)
    feat = jnp.concatenate([relative_dis, relative_xyz, xyz_tile, neighbor_xyz], axis=-2)  # [B, N, k, 4, 3]
    # VNLinearLeakyReLU(4 -> d_out)
    x = vn_linear(feat, W1)
    x = vn_leaky_relu(x, Wd1)
    # Att_pooling: fc scores -> softmax over neighbors -> weighted sum -> mlp + VN relu
    att = vn_linear(x, Watt)
    scores = jax.nn.softmax(att, axis=2)
    agg = jnp.sum(x * scores, axis=2)                   # [B, N, d_out, 3]
    out = vn_linear(agg, Wmlp)
    out = vn_leaky_relu(out, Wd2)
    return out

if __name__ == "__main__":
    import jax
    _d = setup_inputs()
    print(jax.jit(kernel)(*tuple(_d.values())))

</pallas_src>

<mosaic_0001>
#map = affine_map<(d0, d1) -> (0, 0)>
#map1 = affine_map<(d0, d1) -> (0, 0, 0)>
#map2 = affine_map<(d0, d1) -> (0, 0, 0, 0)>
module attributes {stable_mosaic.version = 14 : i64} {
  func.func @gather_kernel(%arg0: i32, %arg1: i32, %arg2: memref<4x24576xf32, #tpu.memory_space<hbm>>, %arg3: memref<4x16x8192xi32, #tpu.memory_space<hbm>>, %arg4: memref<4x16x3x8192xf32, #tpu.memory_space<hbm>>, %arg5: memref<24576xf32, #tpu.memory_space<vmem>>, %arg6: memref<16x1024xi32, #tpu.memory_space<vmem>>, %arg7: memref<16x3x1024xf32, #tpu.memory_space<vmem>>) attributes {dimension_semantics = [#tpu.dimension_semantics<core_parallel>, #tpu.dimension_semantics<subcore_parallel>], iteration_bounds = array<i64: 2, 16>, scalar_prefetch = 0 : i64, scratch_operands = 3 : i64, tpu.core_type = #tpu.core_type<sc_vector_subcore>, window_params = [{transform_indices = #map}, {transform_indices = #map1}, {transform_indices = #map2}]} {
    %mul3A = arith.constant 2 : i32
    %mul3A_0 = arith.muli %arg1, %mul3A : i32
    %add3A = arith.addi %mul3A_0, %arg0 : i32
    %jit3A = arith.constant 8 : i32
    %div3A = arith.divsi %add3A, %jit3A : i32
    %sign3A = arith.constant 0 : i32
    %sign3A_1 = arith.cmpi sgt, %add3A, %sign3A : i32
    %sign3A_2 = arith.extui %sign3A_1 : i1 to i32
    %sign3A_3 = arith.constant 0 : i32
    %sign3A_4 = arith.cmpi slt, %add3A, %sign3A_3 : i32
    %sign3A_5 = arith.extui %sign3A_4 : i1 to i32
    %sign3A_6 = arith.subi %sign3A_2, %sign3A_5 : i32
    %sign3A_7 = arith.constant 0 : i32
    %sign3A_8 = arith.cmpi sgt, %jit3A, %sign3A_7 : i32
    %sign3A_9 = arith.extui %sign3A_8 : i1 to i32
    %sign3A_10 = arith.constant 0 : i32
    %sign3A_11 = arith.cmpi slt, %jit3A, %sign3A_10 : i32
    %sign3A_12 = arith.extui %sign3A_11 : i1 to i32
    %sign3A_13 = arith.subi %sign3A_9, %sign3A_12 : i32
    %ne3A = arith.cmpi ne, %sign3A_6, %sign3A_13 : i32
    %rem3A = arith.remsi %add3A, %jit3A : i32
    %ne3A_14 = arith.constant 0 : i32
    %ne3A_15 = arith.cmpi ne, %rem3A, %ne3A_14 : i32
    %and3A = arith.andi %ne3A, %ne3A_15 : i1
    %sub3A = arith.constant 1 : i32
    %sub3A_16 = arith.subi %div3A, %sub3A : i32
    %select_n3A = arith.select %and3A, %sub3A_16, %div3A : i32
    %jit3A_17 = arith.constant 8 : i32
    %eq3A = arith.constant 0 : i32
    %eq3A_18 = arith.cmpi eq, %jit3A_17, %eq3A : i32
    %jit3A_19 = arith.constant 1 : i32
    %select_n3A_20 = arith.select %eq3A_18, %jit3A_19, %jit3A_17 : i32
    %rem3A_21 = arith.remsi %add3A, %select_n3A_20 : i32
    %ne3A_22 = arith.constant 0 : i32
    %ne3A_23 = arith.cmpi ne, %rem3A_21, %ne3A_22 : i32
    %lt3A = arith.constant 0 : i32
    %lt3A_24 = arith.cmpi slt, %rem3A_21, %lt3A : i32
    %lt3A_25 = arith.constant 0 : i32
    %lt3A_26 = arith.cmpi slt, %select_n3A_20, %lt3A_25 : i32
    %ne3A_27 = arith.xori %lt3A_24, %lt3A_26 : i1
    %and3A_28 = arith.andi %ne3A_27, %ne3A_23 : i1
    %add3A_29 = arith.addi %rem3A_21, %select_n3A_20 : i32
    %select_n3A_30 = arith.select %and3A_28, %add3A_29, %rem3A_21 : i32
    %mul3A_31 = arith.constant 1024 : i32
    %mul3A_32 = arith.muli %select_n3A_30, %mul3A_31 : i32
    "tpu.region"() ({
      %run_scoped3A = tpu.sem_alloc : memref<!tpu.dma_semaphore, #tpu.memory_space<semaphore_mem>>
      %dma_start3A = arith.constant 0 : i32
      %dma_start3A_37 = tpu.memref_slice %arg2[%select_n3A, %dma_start3A] : memref<4x24576xf32, #tpu.memory_space<hbm>> -> memref<1x24576xf32, #tpu.memory_space<hbm>>
      %dma_start3A_38 = tpu.memref_squeeze %dma_start3A_37 : memref<1x24576xf32, #tpu.memory_space<hbm>> -> memref<24576xf32, #tpu.memory_space<hbm>>
      %dma_start3A_39 = arith.constant 0 : i32
      %dma_start3A_40 = tpu.memref_slice %arg2[%select_n3A, %dma_start3A_39] : memref<4x24576xf32, #tpu.memory_space<hbm>> -> memref<1x24576xf32, #tpu.memory_space<hbm>>
      %dma_start3A_41 = tpu.memref_squeeze %dma_start3A_40 : memref<1x24576xf32, #tpu.memory_space<hbm>> -> memref<24576xf32, #tpu.memory_space<hbm>>
      tpu.enqueue_dma source(%dma_start3A_41 : memref<24576xf32, #tpu.memory_space<hbm>>) target(%arg5 : memref<24576xf32, #tpu.memory_space<vmem>>) target_semaphore(%run_scoped3A : memref<!tpu.dma_semaphore, #tpu.memory_space<semaphore_mem>>)
      %dma_wait3A = arith.constant 0 : i32
      %dma_wait3A_42 = tpu.memref_slice %arg2[%select_n3A, %dma_wait3A] : memref<4x24576xf32, #tpu.memory_space<hbm>> -> memref<1x24576xf32, #tpu.memory_space<hbm>>
      %dma_wait3A_43 = tpu.memref_squeeze %dma_wait3A_42 : memref<1x24576xf32, #tpu.memory_space<hbm>> -> memref<24576xf32, #tpu.memory_space<hbm>>
      %dma_wait3A_44 = arith.constant 0 : i32
      %dma_wait3A_45 = tpu.memref_slice %arg2[%select_n3A, %dma_wait3A_44] : memref<4x24576xf32, #tpu.memory_space<hbm>> -> memref<1x24576xf32, #tpu.memory_space<hbm>>
      %dma_wait3A_46 = tpu.memref_squeeze %dma_wait3A_45 : memref<1x24576xf32, #tpu.memory_space<hbm>> -> memref<24576xf32, #tpu.memory_space<hbm>>
      tpu.wait_dma2 semaphore(%run_scoped3A : memref<!tpu.dma_semaphore, #tpu.memory_space<semaphore_mem>>) src(%dma_wait3A_46 : memref<24576xf32, #tpu.memory_space<hbm>>) dst(%arg5 : memref<24576xf32, #tpu.memory_space<vmem>>)
      tpu.yield
    }) : () -> ()
    "tpu.region"() ({
      %run_scoped3A = tpu.sem_alloc : memref<!tpu.dma_semaphore, #tpu.memory_space<semaphore_mem>>
      %dma_start3A = arith.constant 0 : i32
      %dma_start3A_37 = tpu.memref_slice %arg3[%select_n3A, %dma_start3A, %mul3A_32] : memref<4x16x8192xi32, #tpu.memory_space<hbm>> -> memref<1x16x1024xi32, #tpu.memory_space<hbm>>
      %dma_start3A_38 = tpu.memref_squeeze %dma_start3A_37 : memref<1x16x1024xi32, #tpu.memory_space<hbm>> -> memref<16x1024xi32, #tpu.memory_space<hbm>>
      %dma_start3A_39 = arith.constant 0 : i32
      %dma_start3A_40 = tpu.memref_slice %arg3[%select_n3A, %dma_start3A_39, %mul3A_32] : memref<4x16x8192xi32, #tpu.memory_space<hbm>> -> memref<1x16x1024xi32, #tpu.memory_space<hbm>>
      %dma_start3A_41 = tpu.memref_squeeze %dma_start3A_40 : memref<1x16x1024xi32, #tpu.memory_space<hbm>> -> memref<16x1024xi32, #tpu.memory_space<hbm>>
      tpu.enqueue_dma source(%dma_start3A_41 : memref<16x1024xi32, #tpu.memory_space<hbm>>) target(%arg6 : memref<16x1024xi32, #tpu.memory_space<vmem>>) target_semaphore(%run_scoped3A : memref<!tpu.dma_semaphore, #tpu.memory_space<semaphore_mem>>)
      %dma_wait3A = arith.constant 0 : i32
      %dma_wait3A_42 = tpu.memref_slice %arg3[%select_n3A, %dma_wait3A, %mul3A_32] : memref<4x16x8192xi32, #tpu.memory_space<hbm>> -> memref<1x16x1024xi32, #tpu.memory_space<hbm>>
      %dma_wait3A_43 = tpu.memref_squeeze %dma_wait3A_42 : memref<1x16x1024xi32, #tpu.memory_space<hbm>> -> memref<16x1024xi32, #tpu.memory_space<hbm>>
      %dma_wait3A_44 = arith.constant 0 : i32
      %dma_wait3A_45 = tpu.memref_slice %arg3[%select_n3A, %dma_wait3A_44, %mul3A_32] : memref<4x16x8192xi32, #tpu.memory_space<hbm>> -> memref<1x16x1024xi32, #tpu.memory_space<hbm>>
      %dma_wait3A_46 = tpu.memref_squeeze %dma_wait3A_45 : memref<1x16x1024xi32, #tpu.memory_space<hbm>> -> memref<16x1024xi32, #tpu.memory_space<hbm>>
      tpu.wait_dma2 semaphore(%run_scoped3A : memref<!tpu.dma_semaphore, #tpu.memory_space<semaphore_mem>>) src(%dma_wait3A_46 : memref<16x1024xi32, #tpu.memory_space<hbm>>) dst(%arg6 : memref<16x1024xi32, #tpu.memory_space<vmem>>)
      tpu.yield
    }) : () -> ()
    %scan3A = arith.constant 0 : i32
    %scan3A_33 = arith.constant 64 : i32
    %scan3A_34 = arith.addi %scan3A, %scan3A_33 : i32
    %scan3A_35 = arith.constant 1 : i32
    scf.for %scan3A_37 = %scan3A to %scan3A_34 step %scan3A_35  : i32 {
      %mul3A_38 = arith.constant 1 : i32
      %mul3A_39 = arith.muli %scan3A_37, %mul3A_38 : i32
      %add3A_40 = arith.constant 0 : i32
      %add3A_41 = arith.addi %add3A_40, %mul3A_39 : i32
      %mul3A_42 = arith.constant 16 : i32
      %mul3A_43 = arith.muli %add3A_41, %mul3A_42 : i32
      %get3A = arith.constant 0 : i32
      %get3A_44 = arith.index_cast %get3A : i32 to index
      %get3A_45 = arith.index_cast %mul3A_43 : i32 to index
      %get3A_46 = tpu.vector_load %arg6[%get3A_44, %get3A_45] {strides = array<i32>} : memref<16x1024xi32, #tpu.memory_space<vmem>>, vector<16xi32>,
      %mul3A_47 = arith.constant 3 : i32
      %mul3A_48 = vector.broadcast %mul3A_47 : i32 to vector<16xi32>
      %mul3A_49 = arith.muli %get3A_46, %mul3A_48 : vector<16xi32>
      %add3A_50 = arith.constant 0 : i32
      %add3A_51 = vector.broadcast %add3A_50 : i32 to vector<16xi32>
      %add3A_52 = arith.addi %mul3A_49, %add3A_51 : vector<16xi32>
      %gather3A = tpu.vector_load_idx %arg5[%add3A_52] : memref<24576xf32, #tpu.memory_space<vmem>>[vector<16xi32>], vector<16xf32>,
      %swap3A = arith.constant 0 : i32
      %swap3A_53 = arith.constant 0 : i32
      %swap3A_54 = arith.index_cast %swap3A : i32 to index
      %swap3A_55 = arith.index_cast %swap3A_53 : i32 to index
      %swap3A_56 = arith.index_cast %mul3A_43 : i32 to index
      %swap3A_57 = tpu.vector_load %arg7[%swap3A_54, %swap3A_55, %swap3A_56] {strides = array<i32>} : memref<16x3x1024xf32, #tpu.memory_space<vmem>>, vector<16xf32>,
      tpu.vector_store %arg7[%swap3A_54, %swap3A_55, %swap3A_56], %gather3A {strides = array<i32>} : memref<16x3x1024xf32, #tpu.memory_space<vmem>>, vector<16xf32>,
      %add3A_58 = arith.constant 1 : i32
      %add3A_59 = vector.broadcast %add3A_58 : i32 to vector<16xi32>
      %add3A_60 = arith.addi %mul3A_49, %add3A_59 : vector<16xi32>
      %gather3A_61 = tpu.vector_load_idx %arg5[%add3A_60] : memref<24576xf32, #tpu.memory_space<vmem>>[vector<16xi32>], vector<16xf32>,
      %swap3A_62 = arith.constant 0 : i32
      %swap3A_63 = arith.constant 1 : i32
      %swap3A_64 = arith.index_cast %swap3A_62 : i32 to index
      %swap3A_65 = arith.index_cast %swap3A_63 : i32 to index
      %swap3A_66 = arith.index_cast %mul3A_43 : i32 to index
      %swap3A_67 = tpu.vector_load %arg7[%swap3A_64, %swap3A_65, %swap3A_66] {strides = array<i32>} : memref<16x3x1024xf32, #tpu.memory_space<vmem>>, vector<16xf32>,
      tpu.vector_store %arg7[%swap3A_64, %swap3A_65, %swap3A_66], %gather3A_61 {strides = array<i32>} : memref<16x3x1024xf32, #tpu.memory_space<vmem>>, vector<16xf32>,
      %add3A_68 = arith.constant 2 : i32
      %add3A_69 = vector.broadcast %add3A_68 : i32 to vector<16xi32>
      %add3A_70 = arith.addi %mul3A_49, %add3A_69 : vector<16xi32>
      %gather3A_71 = tpu.vector_load_idx %arg5[%add3A_70] : memref<24576xf32, #tpu.memory_space<vmem>>[vector<16xi32>], vector<16xf32>,
      %swap3A_72 = arith.constant 0 : i32
      %swap3A_73 = arith.constant 2 : i32
      %swap3A_74 = arith.index_cast %swap3A_72 : i32 to index
      %swap3A_75 = arith.index_cast %swap3A_73 : i32 to index
      %swap3A_76 = arith.index_cast %mul3A_43 : i32 to index
      %swap3A_77 = tpu.vector_load %arg7[%swap3A_74, %swap3A_75, %swap3A_76] {strides = array<i32>} : memref<16x3x1024xf32, #tpu.memory_space<vmem>>, vector<16xf32>,
      tpu.vector_store %arg7[%swap3A_74, %swap3A_75, %swap3A_76], %gather3A_71 {strides = array<i32>} : memref<16x3x1024xf32, #tpu.memory_space<vmem>>, vector<16xf32>,
      %get3A_78 = arith.constant 1 : i32
      %get3A_79 = arith.index_cast %get3A_78 : i32 to index
      %get3A_80 = arith.index_cast %mul3A_43 : i32 to index
      %get3A_81 = tpu.vector_load %arg6[%get3A_79, %get3A_80] {strides = array<i32>} : memref<16x1024xi32, #tpu.memory_space<vmem>>, vector<16xi32>,
      %mul3A_82 = arith.constant 3 : i32
      %mul3A_83 = vector.broadcast %mul3A_82 : i32 to vector<16xi32>
      %mul3A_84 = arith.muli %get3A_81, %mul3A_83 : vector<16xi32>
      %add3A_85 = arith.constant 0 : i32
      %add3A_86 = vector.broadcast %add3A_85 : i32 to vector<16xi32>
      %add3A_87 = arith.addi %mul3A_84, %add3A_86 : vector<16xi32>
      %gather3A_88 = tpu.vector_load_idx %arg5[%add3A_87] : memref<24576xf32, #tpu.memory_space<vmem>>[vector<16xi32>], vector<16xf32>,
      %swap3A_89 = arith.constant 1 : i32
      %swap3A_90 = arith.constant 0 : i32
      %swap3A_91 = arith.index_cast %swap3A_89 : i32 to index
      %swap3A_92 = arith.index_cast %swap3A_90 : i32 to index
      %swap3A_93 = arith.index_cast %mul3A_43 : i32 to index
      %swap3A_94 = tpu.vector_load %arg7[%swap3A_91, %swap3A_92, %swap3A_93] {strides = array<i32>} : memref<16x3x1024xf32, #tpu.memory_space<vmem>>, vector<16xf32>,
      tpu.vector_store %arg7[%swap3A_91, %swap3A_92, %swap3A_93], %gather3A_88 {strides = array<i32>} : memref<16x3x1024xf32, #tpu.memory_space<vmem>>, vector<16xf32>,
      %add3A_95 = arith.constant 1 : i32
      %add3A_96 = vector.broadcast %add3A_95 : i32 to vector<16xi32>
      %add3A_97 = arith.addi %mul3A_84, %add3A_96 : vector<16xi32>
      %gather3A_98 = tpu.vector_load_idx %arg5[%add3A_97] : memref<24576xf32, #tpu.memory_space<vmem>>[vector<16xi32>], vector<16xf32>,
      %swap3A_99 = arith.constant 1 : i32
      %swap3A_100 = arith.constant 1 : i32
      %swap3A_101 = arith.index_cast %swap3A_99 : i32 to index
      %swap3A_102 = arith.index_cast %swap3A_100 : i32 to index
      %swap3A_103 = arith.index_cast %mul3A_43 : i32 to index
      %swap3A_104 = tpu.vector_load %arg7[%swap3A_101, %swap3A_102, %swap3A_103] {strides = array<i32>} : memref<16x3x1024xf32, #tpu.memory_space<vmem>>, vector<16xf32>,
      tpu.vector_store %arg7[%swap3A_101, %swap3A_102, %swap3A_103], %gather3A_98 {strides = array<i32>} : memref<16x3x1024xf32, #tpu.memory_space<vmem>>, vector<16xf32>,
      %add3A_105 = arith.constant 2 : i32
      %add3A_106 = vector.broadcast %add3A_105 : i32 to vector<16xi32>
      %add3A_107 = arith.addi %mul3A_84, %add3A_106 : vector<16xi32>
      %gather3A_108 = tpu.vector_load_idx %arg5[%add3A_107] : memref<24576xf32, #tpu.memory_space<vmem>>[vector<16xi32>], vector<16xf32>,
      %swap3A_109 = arith.constant 1 : i32
      %swap3A_110 = arith.constant 2 : i32
      %swap3A_111 = arith.index_cast %swap3A_109 : i32 to index
      %swap3A_112 = arith.index_cast %swap3A_110 : i32 to index
      %swap3A_113 = arith.index_cast %mul3A_43 : i32 to index
      %swap3A_114 = tpu.vector_load %arg7[%swap3A_111, %swap3A_112, %swap3A_113] {strides = array<i32>} : memref<16x3x1024xf32, #tpu.memory_space<vmem>>, vector<16xf32>,
      tpu.vector_store %arg7[%swap3A_111, %swap3A_112, %swap3A_113], %gather3A_108 {strides = array<i32>} : memref<16x3x1024xf32, #tpu.memory_space<vmem>>, vector<16xf32>,
      %get3A_115 = arith.constant 2 : i32
      %get3A_116 = arith.index_cast %get3A_115 : i32 to index
      %get3A_117 = arith.index_cast %mul3A_43 : i32 to index
      %get3A_118 = tpu.vector_load %arg6[%get3A_116, %get3A_117] {strides = array<i32>} : memref<16x1024xi32, #tpu.memory_space<vmem>>, vector<16xi32>,
      %mul3A_119 = arith.constant 3 : i32
      %mul3A_120 = vector.broadcast %mul3A_119 : i32 to vector<16xi32>
      %mul3A_121 = arith.muli %get3A_118, %mul3A_120 : vector<16xi32>
      %add3A_122 = arith.constant 0 : i32
      %add3A_123 = vector.broadcast %add3A_122 : i32 to vector<16xi32>
      %add3A_124 = arith.addi %mul3A_121, %add3A_123 : vector<16xi32>
      %gather3A_125 = tpu.vector_load_idx %arg5[%add3A_124] : memref<24576xf32, #tpu.memory_space<vmem>>[vector<16xi32>], vector<16xf32>,
      %swap3A_126 = arith.constant 2 : i32
      %swap3A_127 = arith.constant 0 : i32
      %swap3A_128 = arith.index_cast %swap3A_126 : i32 to index
      %swap3A_129 = arith.index_cast %swap3A_127 : i32 to index
      %swap3A_130 = arith.index_cast %mul3A_43 : i32 to index
      %swap3A_131 = tpu.vector_load %arg7[%swap3A_128, %swap3A_129, %swap3A_130] {strides = array<i32>} : memref<16x3x1024xf32, #tpu.memory_space<vmem>>, vector<16xf32>,
      tpu.vector_store %arg7[%swap3A_128, %swap3A_129, %swap3A_130], %gather3A_125 {strides = array<i32>} : memref<16x3x1024xf32, #tpu.memory_space<vmem>>, vector<16xf32>,
      %add3A_132 = arith.constant 1 : i32
      %add3A_133 = vector.broadcast %add3A_132 : i32 to vector<16xi32>
      %add3A_134 = arith.addi %mul3A_121, %add3A_133 : vector<16xi32>
      %gather3A_135 = tpu.vector_load_idx %arg5[%add3A_134] : memref<24576xf32, #tpu.memory_space<vmem>>[vector<16xi32>], vector<16xf32>,
      %swap3A_136 = arith.constant 2 : i32
      %swap3A_137 = arith.constant 1 : i32
      %swap3A_138 = arith.index_cast %swap3A_136 : i32 to index
      %swap3A_139 = arith.index_cast %swap3A_137 : i32 to index
      %swap3A_140 = arith.index_cast %mul3A_43 : i32 to index
      %swap3A_141 = tpu.vector_load %arg7[%swap3A_138, %swap3A_139, %swap3A_140] {strides = array<i32>} : memref<16x3x1024xf32, #tpu.memory_space<vmem>>, vector<16xf32>,
      tpu.vector_store %arg7[%swap3A_138, %swap3A_139, %swap3A_140], %gather3A_135 {strides = array<i32>} : memref<16x3x1024xf32, #tpu.memory_space<vmem>>, vector<16xf32>,
      %add3A_142 = arith.constant 2 : i32
      %add3A_143 = vector.broadcast %add3A_142 : i32 to vector<16xi32>
      %add3A_144 = arith.addi %mul3A_121, %add3A_143 : vector<16xi32>
      %gather3A_145 = tpu.vector_load_idx %arg5[%add3A_144] : memref<24576xf32, #tpu.memory_space<vmem>>[vector<16xi32>], vector<16xf32>,
      %swap3A_146 = arith.constant 2 : i32
      %swap3A_147 = arith.constant 2 : i32
      %swap3A_148 = arith.index_cast %swap3A_146 : i32 to index
      %swap3A_149 = arith.index_cast %swap3A_147 : i32 to index
      %swap3A_150 = arith.index_cast %mul3A_43 : i32 to index
      %swap3A_151 = tpu.vector_load %arg7[%swap3A_148, %swap3A_149, %swap3A_150] {strides = array<i32>} : memref<16x3x1024xf32, #tpu.memory_space<vmem>>, vector<16xf32>,
      tpu.vector_store %arg7[%swap3A_148, %swap3A_149, %swap3A_150], %gather3A_145 {strides = array<i32>} : memref<16x3x1024xf32, #tpu.memory_space<vmem>>, vector<16xf32>,
      %get3A_152 = arith.constant 3 : i32
      %get3A_153 = arith.index_cast %get3A_152 : i32 to index
      %get3A_154 = arith.index_cast %mul3A_43 : i32 to index
      %get3A_155 = tpu.vector_load %arg6[%get3A_153, %get3A_154] {strides = array<i32>} : memref<16x1024xi32, #tpu.memory_space<vmem>>, vector<16xi32>,
      %mul3A_156 = arith.constant 3 : i32
      %mul3A_157 = vector.broadcast %mul3A_156 : i32 to vector<16xi32>
      %mul3A_158 = arith.muli %get3A_155, %mul3A_157 : vector<16xi32>
      %add3A_159 = arith.constant 0 : i32
      %add3A_160 = vector.broadcast %add3A_159 : i32 to vector<16xi32>
      %add3A_161 = arith.addi %mul3A_158, %add3A_160 : vector<16xi32>
      %gather3A_162 = tpu.vector_load_idx %arg5[%add3A_161] : memref<24576xf32, #tpu.memory_space<vmem>>[vector<16xi32>], vector<16xf32>,
      %swap3A_163 = arith.constant 3 : i32
      %swap3A_164 = arith.constant 0 : i32
      %swap3A_165 = arith.index_cast %swap3A_163 : i32 to index
      %swap3A_166 = arith.index_cast %swap3A_164 : i32 to index
      %swap3A_167 = arith.index_cast %mul3A_43 : i32 to index
      %swap3A_168 = tpu.vector_load %arg7[%swap3A_165, %swap3A_166, %swap3A_167] {strides = array<i32>} : memref<16x3x1024xf32, #tpu.memory_space<vmem>>, vector<16xf32>,
      tpu.vector_store %arg7[%swap3A_165, %swap3A_166, %swap3A_167], %gather3A_162 {strides = array<i32>} : memref<16x3x1024xf32, #tpu.memory_space<vmem>>, vector<16xf32>,
      %add3A_169 = arith.constant 1 : i32
      %add3A_170 = vector.broadcast %add3A_169 : i32 to vector<16xi32>
      %add3A_171 = arith.addi %mul3A_158, %add3A_170 : vector<16xi32>
      %gather3A_172 = tpu.vector_load_idx %arg5[%add3A_171] : memref<24576xf32, #tpu.memory_space<vmem>>[vector<16xi32>], vector<16xf32>,
      %swap3A_173 = arith.constant 3 : i32
      %swap3A_174 = arith.constant 1 : i32
      %swap3A_175 = arith.index_cast %swap3A_173 : i32 to index
      %swap3A_176 = arith.index_cast %swap3A_174 : i32 to index
      %swap3A_177 = arith.index_cast %mul3A_43 : i32 to index
      %swap3A_178 = tpu.vector_load %arg7[%swap3A_175, %swap3A_176, %swap3A_177] {strides = array<i32>} : memref<16x3x1024xf32, #tpu.memory_space<vmem>>, vector<16xf32>,
      tpu.vector_store %arg7[%swap3A_175, %swap3A_176, %swap3A_177], %gather3A_172 {strides = array<i32>} : memref<16x3x1024xf32, #tpu.memory_space<vmem>>, vector<16xf32>,
      %add3A_179 = arith.constant 2 : i32
      %add3A_180 = vector.broadcast %add3A_179 : i32 to vector<16xi32>
      %add3A_181 = arith.addi %mul3A_158, %add3A_180 : vector<16xi32>
      %gather3A_182 = tpu.vector_load_idx %arg5[%add3A_181] : memref<24576xf32, #tpu.memory_space<vmem>>[vector<16xi32>], vector<16xf32>,
      %swap3A_183 = arith.constant 3 : i32
      %swap3A_184 = arith.constant 2 : i32
      %swap3A_185 = arith.index_cast %swap3A_183 : i32 to index
      %swap3A_186 = arith.index_cast %swap3A_184 : i32 to index
      %swap3A_187 = arith.index_cast %mul3A_43 : i32 to index
      %swap3A_188 = tpu.vector_load %arg7[%swap3A_185, %swap3A_186, %swap3A_187] {strides = array<i32>} : memref<16x3x1024xf32, #tpu.memory_space<vmem>>, vector<16xf32>,
      tpu.vector_store %arg7[%swap3A_185, %swap3A_186, %swap3A_187], %gather3A_182 {strides = array<i32>} : memref<16x3x1024xf32, #tpu.memory_space<vmem>>, vector<16xf32>,
      %get3A_189 = arith.constant 4 : i32
      %get3A_190 = arith.index_cast %get3A_189 : i32 to index
      %get3A_191 = arith.index_cast %mul3A_43 : i32 to index
      %get3A_192 = tpu.vector_load %arg6[%get3A_190, %get3A_191] {strides = array<i32>} : memref<16x1024xi32, #tpu.memory_space<vmem>>, vector<16xi32>,
      %mul3A_193 = arith.constant 3 : i32
      %mul3A_194 = vector.broadcast %mul3A_193 : i32 to vector<16xi32>
      %mul3A_195 = arith.muli %get3A_192, %mul3A_194 : vector<16xi32>
      %add3A_196 = arith.constant 0 : i32
      %add3A_197 = vector.broadcast %add3A_196 : i32 to vector<16xi32>
      %add3A_198 = arith.addi %mul3A_195, %add3A_197 : vector<16xi32>
      %gather3A_199 = tpu.vector_load_idx %arg5[%add3A_198] : memref<24576xf32, #tpu.memory_space<vmem>>[vector<16xi32>], vector<16xf32>,
      %swap3A_200 = arith.constant 4 : i32
      %swap3A_201 = arith.constant 0 : i32
      %swap3A_202 = arith.index_cast %swap3A_200 : i32 to index
      %swap3A_203 = arith.index_cast %swap3A_201 : i32 to index
      %swap3A_204 = arith.index_cast %mul3A_43 : i32 to index
      %swap3A_205 = tpu.vector_load %arg7[%swap3A_202, %swap3A_203, %swap3A_204] {strides = array<i32>} : memref<16x3x1024xf32, #tpu.memory_space<vmem>>, vector<16xf32>,
      tpu.vector_store %arg7[%swap3A_202, %swap3A_203, %swap3A_204], %gather3A_199 {strides = array<i32>} : memref<16x3x1024xf32, #tpu.memory_space<vmem>>, vector<16xf32>,
      %add3A_206 = arith.constant 1 : i32
      %add3A_207 = vector.broadcast %add3A_206 : i32 to vector<16xi32>
      %add3A_208 = arith.addi %mul3A_195, %add3A_207 : vector<16xi32>
      %gather3A_209 = tpu.vector_load_idx %arg5[%add3A_208] : memref<24576xf32, #tpu.memory_space<vmem>>[vector<16xi32>], vector<16xf32>,
      %swap3A_210 = arith.constant 4 : i32
      %swap3A_211 = arith.constant 1 : i32
      %swap3A_212 = arith.index_cast %swap3A_210 : i32 to index
      %swap3A_213 = arith.index_cast %swap3A_211 : i32 to index
      %swap3A_214 = arith.index_cast %mul3A_43 : i32 to index
      %swap3A_215 = tpu.vector_load %arg7[%swap3A_212, %swap3A_213, %swap3A_214] {strides = array<i32>} : memref<16x3x1024xf32, #tpu.memory_space<vmem>>, vector<16xf32>,
      tpu.vector_store %arg7[%swap3A_212, %swap3A_213, %swap3A_214], %gather3A_209 {strides = array<i32>} : memref<16x3x1024xf32, #tpu.memory_space<vmem>>, vector<16xf32>,
      %add3A_216 = arith.constant 2 : i32
      %add3A_217 = vector.broadcast %add3A_216 : i32 to vector<16xi32>
      %add3A_218 = arith.addi %mul3A_195, %add3A_217 : vector<16xi32>
      %gather3A_219 = tpu.vector_load_idx %arg5[%add3A_218] : memref<24576xf32, #tpu.memory_space<vmem>>[vector<16xi32>], vector<16xf32>,
      %swap3A_220 = arith.constant 4 : i32
      %swap3A_221 = arith.constant 2 : i32
      %swap3A_222 = arith.index_cast %swap3A_220 : i32 to index
      %swap3A_223 = arith.index_cast %swap3A_221 : i32 to index
      %swap3A_224 = arith.index_cast %mul3A_43 : i32 to index
      %swap3A_225 = tpu.vector_load %arg7[%swap3A_222, %swap3A_223, %swap3A_224] {strides = array<i32>} : memref<16x3x1024xf32, #tpu.memory_space<vmem>>, vector<16xf32>,
      tpu.vector_store %arg7[%swap3A_222, %swap3A_223, %swap3A_224], %gather3A_219 {strides = array<i32>} : memref<16x3x1024xf32, #tpu.memory_space<vmem>>, vector<16xf32>,
      %get3A_226 = arith.constant 5 : i32
      %get3A_227 = arith.index_cast %get3A_226 : i32 to index
      %get3A_228 = arith.index_cast %mul3A_43 : i32 to index
      %get3A_229 = tpu.vector_load %arg6[%get3A_227, %get3A_228] {strides = array<i32>} : memref<16x1024xi32, #tpu.memory_space<vmem>>, vector<16xi32>,
      %mul3A_230 = arith.constant 3 : i32
      %mul3A_231 = vector.broadcast %mul3A_230 : i32 to vector<16xi32>
      %mul3A_232 = arith.muli %get3A_229, %mul3A_231 : vector<16xi32>
      %add3A_233 = arith.constant 0 : i32
      %add3A_234 = vector.broadcast %add3A_233 : i32 to vector<16xi32>
      %add3A_235 = arith.addi %mul3A_232, %add3A_234 : vector<16xi32>
      %gather3A_236 = tpu.vector_load_idx %arg5[%add3A_235] : memref<24576xf32, #tpu.memory_space<vmem>>[vector<16xi32>], vector<16xf32>,
      %swap3A_237 = arith.constant 5 : i32
      %swap3A_238 = arith.constant 0 : i32
      %swap3A_239 = arith.index_cast %swap3A_237 : i32 to index
      %swap3A_240 = arith.index_cast %swap3A_238 : i32 to index
      %swap3A_241 = arith.index_cast %mul3A_43 : i32 to index
      %swap3A_242 = tpu.vector_load %arg7[%swap3A_239, %swap3A_240, %swap3A_241] {strides = array<i32>} : memref<16x3x1024xf32, #tpu.memory_space<vmem>>, vector<16xf32>,
      tpu.vector_store %arg7[%swap3A_239, %swap3A_240, %swap3A_241], %gather3A_236 {strides = array<i32>} : memref<16x3x1024xf32, #tpu.memory_space<vmem>>, vector<16xf32>,
      %add3A_243 = arith.constant 1 : i32
      %add3A_244 = vector.broadcast %add3A_243 : i32 to vector<16xi32>
      %add3A_245 = arith.addi %mul3A_232, %add3A_244 : vector<16xi32>
      %gather3A_246 = tpu.vector_load_idx %arg5[%add3A_245] : memref<24576xf32, #tpu.memory_space<vmem>>[vector<16xi32>], vector<16xf32>,
      %swap3A_247 = arith.constant 5 : i32
      %swap3A_248 = arith.constant 1 : i32
      %swap3A_249 = arith.index_cast %swap3A_247 : i32 to index
      %swap3A_250 = arith.index_cast %swap3A_248 : i32 to index
      %swap3A_251 = arith.index_cast %mul3A_43 : i32 to index
      %swap3A_252 = tpu.vector_load %arg7[%swap3A_249, %swap3A_250, %swap3A_251] {strides = array<i32>} : memref<16x3x1024xf32, #tpu.memory_space<vmem>>, vector<16xf32>,
      tpu.vector_store %arg7[%swap3A_249, %swap3A_250, %swap3A_251], %gather3A_246 {strides = array<i32>} : memref<16x3x1024xf32, #tpu.memory_space<vmem>>, vector<16xf32>,
      %add3A_253 = arith.constant 2 : i32
      %add3A_254 = vector.broadcast %add3A_253 : i32 to vector<16xi32>
      %add3A_255 = arith.addi %mul3A_232, %add3A_254 : vector<16xi32>
      %gather3A_256 = tpu.vector_load_idx %arg5[%add3A_255] : memref<24576xf32, #tpu.memory_space<vmem>>[vector<16xi32>], vector<16xf32>,
      %swap3A_257 = arith.constant 5 : i32
      %swap3A_258 = arith.constant 2 : i32
      %swap3A_259 = arith.index_cast %swap3A_257 : i32 to index
      %swap3A_260 = arith.index_cast %swap3A_258 : i32 to index
      %swap3A_261 = arith.index_cast %mul3A_43 : i32 to index
      %swap3A_262 = tpu.vector_load %arg7[%swap3A_259, %swap3A_260, %swap3A_261] {strides = array<i32>} : memref<16x3x1024xf32, #tpu.memory_space<vmem>>, vector<16xf32>,
      tpu.vector_store %arg7[%swap3A_259, %swap3A_260, %swap3A_261], %gather3A_256 {strides = array<i32>} : memref<16x3x1024xf32, #tpu.memory_space<vmem>>, vector<16xf32>,
      %get3A_263 = arith.constant 6 : i32
      %get3A_264 = arith.index_cast %get3A_263 : i32 to index
      %get3A_265 = arith.index_cast %mul3A_43 : i32 to index
      %get3A_266 = tpu.vector_load %arg6[%get3A_264, %get3A_265] {strides = array<i32>} : memref<16x1024xi32, #tpu.memory_space<vmem>>, vector<16xi32>,
      %mul3A_267 = arith.constant 3 : i32
      %mul3A_268 = vector.broadcast %mul3A_267 : i32 to vector<16xi32>
      %mul3A_269 = arith.muli %get3A_266, %mul3A_268 : vector<16xi32>
      %add3A_270 = arith.constant 0 : i32
      %add3A_271 = vector.broadcast %add3A_270 : i32 to vector<16xi32>
      %add3A_272 = arith.addi %mul3A_269, %add3A_271 : vector<16xi32>
      %gather3A_273 = tpu.vector_load_idx %arg5[%add3A_272] : memref<24576xf32, #tpu.memory_space<vmem>>[vector<16xi32>], vector<16xf32>,
      %swap3A_274 = arith.constant 6 : i32
      %swap3A_275 = arith.constant 0 : i32
      %swap3A_276 = arith.index_cast %swap3A_274 : i32 to index
      %swap3A_277 = arith.index_cast %swap3A_275 : i32 to index
      %swap3A_278 = arith.index_cast %mul3A_43 : i32 to index
      %swap3A_279 = tpu.vector_load %arg7[%swap3A_276, %swap3A_277, %swap3A_278] {strides = array<i32>} : memref<16x3x1024xf32, #tpu.memory_space<vmem>>, vector<16xf32>,
      tpu.vector_store %arg7[%swap3A_276, %swap3A_277, %swap3A_278], %gather3A_273 {strides = array<i32>} : memref<16x3x1024xf32, #tpu.memory_space<vmem>>, vector<16xf32>,
      %add3A_280 = arith.constant 1 : i32
      %add3A_281 = vector.broadcast %add3A_280 : i32 to vector<16xi32>
      %add3A_282 = arith.addi %mul3A_269, %add3A_281 : vector<16xi32>
      %gather3A_283 = tpu.vector_load_idx %arg5[%add3A_282] : memref<24576xf32, #tpu.memory_space<vmem>>[vector<16xi32>], vector<16xf32>,
      %swap3A_284 = arith.constant 6 : i32
      %swap3A_285 = arith.constant 1 : i32
      %swap3A_286 = arith.index_cast %swap3A_284 : i32 to index
      %swap3A_287 = arith.index_cast %swap3A_285 : i32 to index
      %swap3A_288 = arith.index_cast %mul3A_43 : i32 to index
      %swap3A_289 = tpu.vector_load %arg7[%swap3A_286, %swap3A_287, %swap3A_288] {strides = array<i32>} : memref<16x3x1024xf32, #tpu.memory_space<vmem>>, vector<16xf32>,
      tpu.vector_store %arg7[%swap3A_286, %swap3A_287, %swap3A_288], %gather3A_283 {strides = array<i32>} : memref<16x3x1024xf32, #tpu.memory_space<vmem>>, vector<16xf32>,
      %add3A_290 = arith.constant 2 : i32
      %add3A_291 = vector.broadcast %add3A_290 : i32 to vector<16xi32>
      %add3A_292 = arith.addi %mul3A_269, %add3A_291 : vector<16xi32>
      %gather3A_293 = tpu.vector_load_idx %arg5[%add3A_292] : memref<24576xf32, #tpu.memory_space<vmem>>[vector<16xi32>], vector<16xf32>,
      %swap3A_294 = arith.constant 6 : i32
      %swap3A_295 = arith.constant 2 : i32
      %swap3A_296 = arith.index_cast %swap3A_294 : i32 to index
      %swap3A_297 = arith.index_cast %swap3A_295 : i32 to index
      %swap3A_298 = arith.index_cast %mul3A_43 : i32 to index
      %swap3A_299 = tpu.vector_load %arg7[%swap3A_296, %swap3A_297, %swap3A_298] {strides = array<i32>} : memref<16x3x1024xf32, #tpu.memory_space<vmem>>, vector<16xf32>,
      tpu.vector_store %arg7[%swap3A_296, %swap3A_297, %swap3A_298], %gather3A_293 {strides = array<i32>} : memref<16x3x1024xf32, #tpu.memory_space<vmem>>, vector<16xf32>,
      %get3A_300 = arith.constant 7 : i32
      %get3A_301 = arith.index_cast %get3A_300 : i32 to index
      %get3A_302 = arith.index_cast %mul3A_43 : i32 to index
      %get3A_303 = tpu.vector_load %arg6[%get3A_301, %get3A_302] {strides = array<i32>} : memref<16x1024xi32, #tpu.memory_space<vmem>>, vector<16xi32>,
      %mul3A_304 = arith.constant 3 : i32
      %mul3A_305 = vector.broadcast %mul3A_304 : i32 to vector<16xi32>
      %mul3A_306 = arith.muli %get3A_303, %mul3A_305 : vector<16xi32>
      %add3A_307 = arith.constant 0 : i32
      %add3A_308 = vector.broadcast %add3A_307 : i32 to vector<16xi32>
      %add3A_309 = arith.addi %mul3A_306, %add3A_308 : vector<16xi32>
      %gather3A_310 = tpu.vector_load_idx %arg5[%add3A_309] : memref<24576xf32, #tpu.memory_space<vmem>>[vector<16xi32>], vector<16xf32>,
      %swap3A_311 = arith.constant 7 : i32
      %swap3A_312 = arith.constant 0 : i32
      %swap3A_313 = arith.index_cast %swap3A_311 : i32 to index
      %swap3A_314 = arith.index_cast %swap3A_312 : i32 to index
      %swap3A_315 = arith.index_cast %mul3A_43 : i32 to index
      %swap3A_316 = tpu.vector_load %arg7[%swap3A_313, %swap3A_314, %swap3A_315] {strides = array<i32>} : memref<16x3x1024xf32, #tpu.memory_space<vmem>>, vector<16xf32>,
      tpu.vector_store %arg7[%swap3A_313, %swap3A_314, %swap3A_315], %gather3A_310 {strides = array<i32>} : memref<16x3x1024xf32, #tpu.memory_space<vmem>>, vector<16xf32>,
      %add3A_317 = arith.constant 1 : i32
      %add3A_318 = vector.broadcast %add3A_317 : i32 to vector<16xi32>
      %add3A_319 = arith.addi %mul3A_306, %add3A_318 : vector<16xi32>
      %gather3A_320 = tpu.vector_load_idx %arg5[%add3A_319] : memref<24576xf32, #tpu.memory_space<vmem>>[vector<16xi32>], vector<16xf32>,
      %swap3A_321 = arith.constant 7 : i32
      %swap3A_322 = arith.constant 1 : i32
      %swap3A_323 = arith.index_cast %swap3A_321 : i32 to index
      %swap3A_324 = arith.index_cast %swap3A_322 : i32 to index
      %swap3A_325 = arith.index_cast %mul3A_43 : i32 to index
      %swap3A_326 = tpu.vector_load %arg7[%swap3A_323, %swap3A_324, %swap3A_325] {strides = array<i32>} : memref<16x3x1024xf32, #tpu.memory_space<vmem>>, vector<16xf32>,
      tpu.vector_store %arg7[%swap3A_323, %swap3A_324, %swap3A_325], %gather3A_320 {strides = array<i32>} : memref<16x3x1024xf32, #tpu.memory_space<vmem>>, vector<16xf32>,
      %add3A_327 = arith.constant 2 : i32
      %add3A_328 = vector.broadcast %add3A_327 : i32 to vector<16xi32>
      %add3A_329 = arith.addi %mul3A_306, %add3A_328 : vector<16xi32>
      %gather3A_330 = tpu.vector_load_idx %arg5[%add3A_329] : memref<24576xf32, #tpu.memory_space<vmem>>[vector<16xi32>], vector<16xf32>,
      %swap3A_331 = arith.constant 7 : i32
      %swap3A_332 = arith.constant 2 : i32
      %swap3A_333 = arith.index_cast %swap3A_331 : i32 to index
      %swap3A_334 = arith.index_cast %swap3A_332 : i32 to index
      %swap3A_335 = arith.index_cast %mul3A_43 : i32 to index
      %swap3A_336 = tpu.vector_load %arg7[%swap3A_333, %swap3A_334, %swap3A_335] {strides = array<i32>} : memref<16x3x1024xf32, #tpu.memory_space<vmem>>, vector<16xf32>,
      tpu.vector_store %arg7[%swap3A_333, %swap3A_334, %swap3A_335], %gather3A_330 {strides = array<i32>} : memref<16x3x1024xf32, #tpu.memory_space<vmem>>, vector<16xf32>,
      %get3A_337 = arith.constant 8 : i32
      %get3A_338 = arith.index_cast %get3A_337 : i32 to index
      %get3A_339 = arith.index_cast %mul3A_43 : i32 to index
      %get3A_340 = tpu.vector_load %arg6[%get3A_338, %get3A_339] {strides = array<i32>} : memref<16x1024xi32, #tpu.memory_space<vmem>>, vector<16xi32>,
      %mul3A_341 = arith.constant 3 : i32
      %mul3A_342 = vector.broadcast %mul3A_341 : i32 to vector<16xi32>
      %mul3A_343 = arith.muli %get3A_340, %mul3A_342 : vector<16xi32>
      %add3A_344 = arith.constant 0 : i32
      %add3A_345 = vector.broadcast %add3A_344 : i32 to vector<16xi32>
      %add3A_346 = arith.addi %mul3A_343, %add3A_345 : vector<16xi32>
      %gather3A_347 = tpu.vector_load_idx %arg5[%add3A_346] : memref<24576xf32, #tpu.memory_space<vmem>>[vector<16xi32>], vector<16xf32>,
      %swap3A_348 = arith.constant 8 : i32
      %swap3A_349 = arith.constant 0 : i32
      %swap3A_350 = arith.index_cast %swap3A_348 : i32 to index
      %swap3A_351 = arith.index_cast %swap3A_349 : i32 to index
      %swap3A_352 = arith.index_cast %mul3A_43 : i32 to index
      %swap3A_353 = tpu.vector_load %arg7[%swap3A_350, %swap3A_351, %swap3A_352] {strides = array<i32>} : memref<16x3x1024xf32, #tpu.memory_space<vmem>>, vector<16xf32>,
      tpu.vector_store %arg7[%swap3A_350, %swap3A_351, %swap3A_352], %gather3A_347 {strides = array<i32>} : memref<16x3x1024xf32, #tpu.memory_space<vmem>>, vector<16xf32>,
      %add3A_354 = arith.constant 1 : i32
      %add3A_355 = vector.broadcast %add3A_354 : i32 to vector<16xi32>
      %add3A_356 = arith.addi %mul3A_343, %add3A_355 : vector<16xi32>
      %gather3A_357 = tpu.vector_load_idx %arg5[%add3A_356] : memref<24576xf32, #tpu.memory_space<vmem>>[vector<16xi32>], vector<16xf32>,
      %swap3A_358 = arith.constant 8 : i32
      %swap3A_359 = arith.constant 1 : i32
      %swap3A_360 = arith.index_cast %swap3A_358 : i32 to index
      %swap3A_361 = arith.index_cast %swap3A_359 : i32 to index
      %swap3A_362 = arith.index_cast %mul3A_43 : i32 to index
      %swap3A_363 = tpu.vector_load %arg7[%swap3A_360, %swap3A_361, %swap3A_362] {strides = array<i32>} : memref<16x3x1024xf32, #tpu.memory_space<vmem>>, vector<16xf32>,
      tpu.vector_store %arg7[%swap3A_360, %swap3A_361, %swap3A_362], %gather3A_357 {strides = array<i32>} : memref<16x3x1024xf32, #tpu.memory_space<vmem>>, vector<16xf32>,
      %add3A_364 = arith.constant 2 : i32
      %add3A_365 = vector.broadcast %add3A_364 : i32 to vector<16xi32>
      %add3A_366 = arith.addi %mul3A_343, %add3A_365 : vector<16xi32>
      %gather3A_367 = tpu.vector_load_idx %arg5[%add3A_366] : memref<24576xf32, #tpu.memory_space<vmem>>[vector<16xi32>], vector<16xf32>,
      %swap3A_368 = arith.constant 8 : i32
      %swap3A_369 = arith.constant 2 : i32
      %swap3A_370 = arith.index_cast %swap3A_368 : i32 to index
      %swap3A_371 = arith.index_cast %swap3A_369 : i32 to index
      %swap3A_372 = arith.index_cast %mul3A_43 : i32 to index
      %swap3A_373 = tpu.vector_load %arg7[%swap3A_370, %swap3A_371, %swap3A_372] {strides = array<i32>} : memref<16x3x1024xf32, #tpu.memory_space<vmem>>, vector<16xf32>,
      tpu.vector_store %arg7[%swap3A_370, %swap3A_371, %swap3A_372], %gather3A_367 {strides = array<i32>} : memref<16x3x1024xf32, #tpu.memory_space<vmem>>, vector<16xf32>,
      %get3A_374 = arith.constant 9 : i32
      %get3A_375 = arith.index_cast %get3A_374 : i32 to index
      %get3A_376 = arith.index_cast %mul3A_43 : i32 to index
      %get3A_377 = tpu.vector_load %arg6[%get3A_375, %get3A_376] {strides = array<i32>} : memref<16x1024xi32, #tpu.memory_space<vmem>>, vector<16xi32>,
      %mul3A_378 = arith.constant 3 : i32
      %mul3A_379 = vector.broadcast %mul3A_378 : i32 to vector<16xi32>
      %mul3A_380 = arith.muli %get3A_377, %mul3A_379 : vector<16xi32>
      %add3A_381 = arith.constant 0 : i32
      %add3A_382 = vector.broadcast %add3A_381 : i32 to vector<16xi32>
      %add3A_383 = arith.addi %mul3A_380, %add3A_382 : vector<16xi32>
      %gather3A_384 = tpu.vector_load_idx %arg5[%add3A_383] : memref<24576xf32, #tpu.memory_space<vmem>>[vector<16xi32>], vector<16xf32>,
      %swap3A_385 = arith.constant 9 : i32
      %swap3A_386 = arith.constant 0 : i32
      %swap3A_387 = arith.index_cast %swap3A_385 : i32 to index
      %swap3A_388 = arith.index_cast %swap3A_386 : i32 to index
      %swap3A_389 = arith.index_cast %mul3A_43 : i32 to index
      %swap3A_390 = tpu.vector_load %arg7[%swap3A_387, %swap3A_388, %swap3A_389] {strides = array<i32>} : memref<16x3x1024xf32, #tpu.memory_space<vmem>>, vector<16xf32>,
      tpu.vector_store %arg7[%swap3A_387, %swap3A_388, %swap3A_389], %gather3A_384 {strides = array<i32>} : memref<16x3x1024xf32, #tpu.memory_space<vmem>>, vector<16xf32>,
      %add3A_391 = arith.constant 1 : i32
      %add3A_392 = vector.broadcast %add3A_391 : i32 to vector<16xi32>
      %add3A_393 = arith.addi %mul3A_380, %add3A_392 : vector<16xi32>
      %gather3A_394 = tpu.vector_load_idx %arg5[%add3A_393] : memref<24576xf32, #tpu.memory_space<vmem>>[vector<16xi32>], vector<16xf32>,
      %swap3A_395 = arith.constant 9 : i32
      %swap3A_396 = arith.constant 1 : i32
      %swap3A_397 = arith.index_cast %swap3A_395 : i32 to index
      %swap3A_398 = arith.index_cast %swap3A_396 : i32 to index
      %swap3A_399 = arith.index_cast %mul3A_43 : i32 to index
      %swap3A_400 = tpu.vector_load %arg7[%swap3A_397, %swap3A_398, %swap3A_399] {strides = array<i32>} : memref<16x3x1024xf32, #tpu.memory_space<vmem>>, vector<16xf32>,
      tpu.vector_store %arg7[%swap3A_397, %swap3A_398, %swap3A_399], %gather3A_394 {strides = array<i32>} : memref<16x3x1024xf32, #tpu.memory_space<vmem>>, vector<16xf32>,
      %add3A_401 = arith.constant 2 : i32
      %add3A_402 = vector.broadcast %add3A_401 : i32 to vector<16xi32>
      %add3A_403 = arith.addi %mul3A_380, %add3A_402 : vector<16xi32>
      %gather3A_404 = tpu.vector_load_idx %arg5[%add3A_403] : memref<24576xf32, #tpu.memory_space<vmem>>[vector<16xi32>], vector<16xf32>,
      %swap3A_405 = arith.constant 9 : i32
      %swap3A_406 = arith.constant 2 : i32
      %swap3A_407 = arith.index_cast %swap3A_405 : i32 to index
      %swap3A_408 = arith.index_cast %swap3A_406 : i32 to index
      %swap3A_409 = arith.index_cast %mul3A_43 : i32 to index
      %swap3A_410 = tpu.vector_load %arg7[%swap3A_407, %swap3A_408, %swap3A_409] {strides = array<i32>} : memref<16x3x1024xf32, #tpu.memory_space<vmem>>, vector<16xf32>,
      tpu.vector_store %arg7[%swap3A_407, %swap3A_408, %swap3A_409], %gather3A_404 {strides = array<i32>} : memref<16x3x1024xf32, #tpu.memory_space<vmem>>, vector<16xf32>,
      %get3A_411 = arith.constant 10 : i32
      %get3A_412 = arith.index_cast %get3A_411 : i32 to index
      %get3A_413 = arith.index_cast %mul3A_43 : i32 to index
      %get3A_414 = tpu.vector_load %arg6[%get3A_412, %get3A_413] {strides = array<i32>} : memref<16x1024xi32, #tpu.memory_space<vmem>>, vector<16xi32>,
      %mul3A_415 = arith.constant 3 : i32
      %mul3A_416 = vector.broadcast %mul3A_415 : i32 to vector<16xi32>
      %mul3A_417 = arith.muli %get3A_414, %mul3A_416 : vector<16xi32>
      %add3A_418 = arith.constant 0 : i32
      %add3A_419 = vector.broadcast %add3A_418 : i32 to vector<16xi32>
      %add3A_420 = arith.addi %mul3A_417, %add3A_419 : vector<16xi32>
      %gather3A_421 = tpu.vector_load_idx %arg5[%add3A_420] : memref<24576xf32, #tpu.memory_space<vmem>>[vector<16xi32>], vector<16xf32>,
      %swap3A_422 = arith.constant 10 : i32
      %swap3A_423 = arith.constant 0 : i32
      %swap3A_424 = arith.index_cast %swap3A_422 : i32 to index
      %swap3A_425 = arith.index_cast %swap3A_423 : i32 to index
      %swap3A_426 = arith.index_cast %mul3A_43 : i32 to index
      %swap3A_427 = tpu.vector_load %arg7[%swap3A_424, %swap3A_425, %swap3A_426] {strides = array<i32>} : memref<16x3x1024xf32, #tpu.memory_space<vmem>>, vector<16xf32>,
      tpu.vector_store %arg7[%swap3A_424, %swap3A_425, %swap3A_426], %gather3A_421 {strides = array<i32>} : memref<16x3x1024xf32, #tpu.memory_space<vmem>>, vector<16xf32>,
      %add3A_428 = arith.constant 1 : i32
      %add3A_429 = vector.broadcast %add3A_428 : i32 to vector<16xi32>
      %add3A_430 = arith.addi %mul3A_417, %add3A_429 : vector<16xi32>
      %gather3A_431 = tpu.vector_load_idx %arg5[%add3A_430] : memref<24576xf32, #tpu.memory_space<vmem>>[vector<16xi32>], vector<16xf32>,
      %swap3A_432 = arith.constant 10 : i32
      %swap3A_433 = arith.constant 1 : i32
      %swap3A_434 = arith.index_cast %swap3A_432 : i32 to index
      %swap3A_435 = arith.index_cast %swap3A_433 : i32 to index
      %swap3A_436 = arith.index_cast %mul3A_43 : i32 to index
      %swap3A_437 = tpu.vector_load %arg7[%swap3A_434, %swap3A_435, %swap3A_436] {strides = array<i32>} : memref<16x3x1024xf32, #tpu.memory_space<vmem>>, vector<16xf32>,
      tpu.vector_store %arg7[%swap3A_434, %swap3A_435, %swap3A_436], %gather3A_431 {strides = array<i32>} : memref<16x3x1024xf32, #tpu.memory_space<vmem>>, vector<16xf32>,
      %add3A_438 = arith.constant 2 : i32
      %add3A_439 = vector.broadcast %add3A_438 : i32 to vector<16xi32>
      %add3A_440 = arith.addi %mul3A_417, %add3A_439 : vector<16xi32>
      %gather3A_441 = tpu.vector_load_idx %arg5[%add3A_440] : memref<24576xf32, #tpu.memory_space<vmem>>[vector<16xi32>], vector<16xf32>,
      %swap3A_442 = arith.constant 10 : i32
      %swap3A_443 = arith.constant 2 : i32
      %swap3A_444 = arith.index_cast %swap3A_442 : i32 to index
      %swap3A_445 = arith.index_cast %swap3A_443 : i32 to index
      %swap3A_446 = arith.index_cast %mul3A_43 : i32 to index
      %swap3A_447 = tpu.vector_load %arg7[%swap3A_444, %swap3A_445, %swap3A_446] {strides = array<i32>} : memref<16x3x1024xf32, #tpu.memory_space<vmem>>, vector<16xf32>,
      tpu.vector_store %arg7[%swap3A_444, %swap3A_445, %swap3A_446], %gather3A_441 {strides = array<i32>} : memref<16x3x1024xf32, #tpu.memory_space<vmem>>, vector<16xf32>,
      %get3A_448 = arith.constant 11 : i32
      %get3A_449 = arith.index_cast %get3A_448 : i32 to index
      %get3A_450 = arith.index_cast %mul3A_43 : i32 to index
      %get3A_451 = tpu.vector_load %arg6[%get3A_449, %get3A_450] {strides = array<i32>} : memref<16x1024xi32, #tpu.memory_space<vmem>>, vector<16xi32>,
      %mul3A_452 = arith.constant 3 : i32
      %mul3A_453 = vector.broadcast %mul3A_452 : i32 to vector<16xi32>
      %mul3A_454 = arith.muli %get3A_451, %mul3A_453 : vector<16xi32>
      %add3A_455 = arith.constant 0 : i32
      %add3A_456 = vector.broadcast %add3A_455 : i32 to vector<16xi32>
      %add3A_457 = arith.addi %mul3A_454, %add3A_456 : vector<16xi32>
      %gather3A_458 = tpu.vector_load_idx %arg5[%add3A_457] : memref<24576xf32, #tpu.memory_space<vmem>>[vector<16xi32>], vector<16xf32>,
      %swap3A_459 = arith.constant 11 : i32
      %swap3A_460 = arith.constant 0 : i32
      %swap3A_461 = arith.index_cast %swap3A_459 : i32 to index
      %swap3A_462 = arith.index_cast %swap3A_460 : i32 to index
      %swap3A_463 = arith.index_cast %mul3A_43 : i32 to index
      %swap3A_464 = tpu.vector_load %arg7[%swap3A_461, %swap3A_462, %swap3A_463] {strides = array<i32>} : memref<16x3x1024xf32, #tpu.memory_space<vmem>>, vector<16xf32>,
      tpu.vector_store %arg7[%swap3A_461, %swap3A_462, %swap3A_463], %gather3A_458 {strides = array<i32>} : memref<16x3x1024xf32, #tpu.memory_space<vmem>>, vector<16xf32>,
      %add3A_465 = arith.constant 1 : i32
      %add3A_466 = vector.broadcast %add3A_465 : i32 to vector<16xi32>
      %add3A_467 = arith.addi %mul3A_454, %add3A_466 : vector<16xi32>
      %gather3A_468 = tpu.vector_load_idx %arg5[%add3A_467] : memref<24576xf32, #tpu.memory_space<vmem>>[vector<16xi32>], vector<16xf32>,
      %swap3A_469 = arith.constant 11 : i32
      %swap3A_470 = arith.constant 1 : i32
      %swap3A_471 = arith.index_cast %swap3A_469 : i32 to index
      %swap3A_472 = arith.index_cast %swap3A_470 : i32 to index
      %swap3A_473 = arith.index_cast %mul3A_43 : i32 to index
      %swap3A_474 = tpu.vector_load %arg7[%swap3A_471, %swap3A_472, %swap3A_473] {strides = array<i32>} : memref<16x3x1024xf32, #tpu.memory_space<vmem>>, vector<16xf32>,
      tpu.vector_store %arg7[%swap3A_471, %swap3A_472, %swap3A_473], %gather3A_468 {strides = array<i32>} : memref<16x3x1024xf32, #tpu.memory_space<vmem>>, vector<16xf32>,
      %add3A_475 = arith.constant 2 : i32
      %add3A_476 = vector.broadcast %add3A_475 : i32 to vector<16xi32>
      %add3A_477 = arith.addi %mul3A_454, %add3A_476 : vector<16xi32>
      %gather3A_478 = tpu.vector_load_idx %arg5[%add3A_477] : memref<24576xf32, #tpu.memory_space<vmem>>[vector<16xi32>], vector<16xf32>,
      %swap3A_479 = arith.constant 11 : i32
      %swap3A_480 = arith.constant 2 : i32
      %swap3A_481 = arith.index_cast %swap3A_479 : i32 to index
      %swap3A_482 = arith.index_cast %swap3A_480 : i32 to index
      %swap3A_483 = arith.index_cast %mul3A_43 : i32 to index
      %swap3A_484 = tpu.vector_load %arg7[%swap3A_481, %swap3A_482, %swap3A_483] {strides = array<i32>} : memref<16x3x1024xf32, #tpu.memory_space<vmem>>, vector<16xf32>,
      tpu.vector_store %arg7[%swap3A_481, %swap3A_482, %swap3A_483], %gather3A_478 {strides = array<i32>} : memref<16x3x1024xf32, #tpu.memory_space<vmem>>, vector<16xf32>,
      %get3A_485 = arith.constant 12 : i32
      %get3A_486 = arith.index_cast %get3A_485 : i32 to index
      %get3A_487 = arith.index_cast %mul3A_43 : i32 to index
      %get3A_488 = tpu.vector_load %arg6[%get3A_486, %get3A_487] {strides = array<i32>} : memref<16x1024xi32, #tpu.memory_space<vmem>>, vector<16xi32>,
      %mul3A_489 = arith.constant 3 : i32
      %mul3A_490 = vector.broadcast %mul3A_489 : i32 to vector<16xi32>
      %mul3A_491 = arith.muli %get3A_488, %mul3A_490 : vector<16xi32>
      %add3A_492 = arith.constant 0 : i32
      %add3A_493 = vector.broadcast %add3A_492 : i32 to vector<16xi32>
      %add3A_494 = arith.addi %mul3A_491, %add3A_493 : vector<16xi32>
      %gather3A_495 = tpu.vector_load_idx %arg5[%add3A_494] : memref<24576xf32, #tpu.memory_space<vmem>>[vector<16xi32>], vector<16xf32>,
      %swap3A_496 = arith.constant 12 : i32
      %swap3A_497 = arith.constant 0 : i32
      %swap3A_498 = arith.index_cast %swap3A_496 : i32 to index
      %swap3A_499 = arith.index_cast %swap3A_497 : i32 to index
      %swap3A_500 = arith.index_cast %mul3A_43 : i32 to index
      %swap3A_501 = tpu.vector_load %arg7[%swap3A_498, %swap3A_499, %swap3A_500] {strides = array<i32>} : memref<16x3x1024xf32, #tpu.memory_space<vmem>>, vector<16xf32>,
      tpu.vector_store %arg7[%swap3A_498, %swap3A_499, %swap3A_500], %gather3A_495 {strides = array<i32>} : memref<16x3x1024xf32, #tpu.memory_space<vmem>>, vector<16xf32>,
      %add3A_502 = arith.constant 1 : i32
      %add3A_503 = vector.broadcast %add3A_502 : i32 to vector<16xi32>
      %add3A_504 = arith.addi %mul3A_491, %add3A_503 : vector<16xi32>
      %gather3A_505 = tpu.vector_load_idx %arg5[%add3A_504] : memref<24576xf32, #tpu.memory_space<vmem>>[vector<16xi32>], vector<16xf32>,
      %swap3A_506 = arith.constant 12 : i32
      %swap3A_507 = arith.constant 1 : i32
      %swap3A_508 = arith.index_cast %swap3A_506 : i32 to index
      %swap3A_509 = arith.index_cast %swap3A_507 : i32 to index
      %swap3A_510 = arith.index_cast %mul3A_43 : i32 to index
      %swap3A_511 = tpu.vector_load %arg7[%swap3A_508, %swap3A_509, %swap3A_510] {strides = array<i32>} : memref<16x3x1024xf32, #tpu.memory_space<vmem>>, vector<16xf32>,
      tpu.vector_store %arg7[%swap3A_508, %swap3A_509, %swap3A_510], %gather3A_505 {strides = array<i32>} : memref<16x3x1024xf32, #tpu.memory_space<vmem>>, vector<16xf32>,
      %add3A_512 = arith.constant 2 : i32
      %add3A_513 = vector.broadcast %add3A_512 : i32 to vector<16xi32>
      %add3A_514 = arith.addi %mul3A_491, %add3A_513 : vector<16xi32>
      %gather3A_515 = tpu.vector_load_idx %arg5[%add3A_514] : memref<24576xf32, #tpu.memory_space<vmem>>[vector<16xi32>], vector<16xf32>,
      %swap3A_516 = arith.constant 12 : i32
      %swap3A_517 = arith.constant 2 : i32
      %swap3A_518 = arith.index_cast %swap3A_516 : i32 to index
      %swap3A_519 = arith.index_cast %swap3A_517 : i32 to index
      %swap3A_520 = arith.index_cast %mul3A_43 : i32 to index
      %swap3A_521 = tpu.vector_load %arg7[%swap3A_518, %swap3A_519, %swap3A_520] {strides = array<i32>} : memref<16x3x1024xf32, #tpu.memory_space<vmem>>, vector<16xf32>,
      tpu.vector_store %arg7[%swap3A_518, %swap3A_519, %swap3A_520], %gather3A_515 {strides = array<i32>} : memref<16x3x1024xf32, #tpu.memory_space<vmem>>, vector<16xf32>,
      %get3A_522 = arith.constant 13 : i32
      %get3A_523 = arith.index_cast %get3A_522 : i32 to index
      %get3A_524 = arith.index_cast %mul3A_43 : i32 to index
      %get3A_525 = tpu.vector_load %arg6[%get3A_523, %get3A_524] {strides = array<i32>} : memref<16x1024xi32, #tpu.memory_space<vmem>>, vector<16xi32>,
      %mul3A_526 = arith.constant 3 : i32
      %mul3A_527 = vector.broadcast %mul3A_526 : i32 to vector<16xi32>
      %mul3A_528 = arith.muli %get3A_525, %mul3A_527 : vector<16xi32>
      %add3A_529 = arith.constant 0 : i32
      %add3A_530 = vector.broadcast %add3A_529 : i32 to vector<16xi32>
      %add3A_531 = arith.addi %mul3A_528, %add3A_530 : vector<16xi32>
      %gather3A_532 = tpu.vector_load_idx %arg5[%add3A_531] : memref<24576xf32, #tpu.memory_space<vmem>>[vector<16xi32>], vector<16xf32>,
      %swap3A_533 = arith.constant 13 : i32
      %swap3A_534 = arith.constant 0 : i32
      %swap3A_535 = arith.index_cast %swap3A_533 : i32 to index
      %swap3A_536 = arith.index_cast %swap3A_534 : i32 to index
      %swap3A_537 = arith.index_cast %mul3A_43 : i32 to index
      %swap3A_538 = tpu.vector_load %arg7[%swap3A_535, %swap3A_536, %swap3A_537] {strides = array<i32>} : memref<16x3x1024xf32, #tpu.memory_space<vmem>>, vector<16xf32>,
      tpu.vector_store %arg7[%swap3A_535, %swap3A_536, %swap3A_537], %gather3A_532 {strides = array<i32>} : memref<16x3x1024xf32, #tpu.memory_space<vmem>>, vector<16xf32>,
      %add3A_539 = arith.constant 1 : i32
      %add3A_540 = vector.broadcast %add3A_539 : i32 to vector<16xi32>
      %add3A_541 = arith.addi %mul3A_528, %add3A_540 : vector<16xi32>
      %gather3A_542 = tpu.vector_load_idx %arg5[%add3A_541] : memref<24576xf32, #tpu.memory_space<vmem>>[vector<16xi32>], vector<16xf32>,
      %swap3A_543 = arith.constant 13 : i32
      %swap3A_544 = arith.constant 1 : i32
      %swap3A_545 = arith.index_cast %swap3A_543 : i32 to index
      %swap3A_546 = arith.index_cast %swap3A_544 : i32 to index
      %swap3A_547 = arith.index_cast %mul3A_43 : i32 to index
      %swap3A_548 = tpu.vector_load %arg7[%swap3A_545, %swap3A_546, %swap3A_547] {strides = array<i32>} : memref<16x3x1024xf32, #tpu.memory_space<vmem>>, vector<16xf32>,
      tpu.vector_store %arg7[%swap3A_545, %swap3A_546, %swap3A_547], %gather3A_542 {strides = array<i32>} : memref<16x3x1024xf32, #tpu.memory_space<vmem>>, vector<16xf32>,
      %add3A_549 = arith.constant 2 : i32
      %add3A_550 = vector.broadcast %add3A_549 : i32 to vector<16xi32>
      %add3A_551 = arith.addi %mul3A_528, %add3A_550 : vector<16xi32>
      %gather3A_552 = tpu.vector_load_idx %arg5[%add3A_551] : memref<24576xf32, #tpu.memory_space<vmem>>[vector<16xi32>], vector<16xf32>,
      %swap3A_553 = arith.constant 13 : i32
      %swap3A_554 = arith.constant 2 : i32
      %swap3A_555 = arith.index_cast %swap3A_553 : i32 to index
      %swap3A_556 = arith.index_cast %swap3A_554 : i32 to index
      %swap3A_557 = arith.index_cast %mul3A_43 : i32 to index
      %swap3A_558 = tpu.vector_load %arg7[%swap3A_555, %swap3A_556, %swap3A_557] {strides = array<i32>} : memref<16x3x1024xf32, #tpu.memory_space<vmem>>, vector<16xf32>,
      tpu.vector_store %arg7[%swap3A_555, %swap3A_556, %swap3A_557], %gather3A_552 {strides = array<i32>} : memref<16x3x1024xf32, #tpu.memory_space<vmem>>, vector<16xf32>,
      %get3A_559 = arith.constant 14 : i32
      %get3A_560 = arith.index_cast %get3A_559 : i32 to index
      %get3A_561 = arith.index_cast %mul3A_43 : i32 to index
      %get3A_562 = tpu.vector_load %arg6[%get3A_560, %get3A_561] {strides = array<i32>} : memref<16x1024xi32, #tpu.memory_space<vmem>>, vector<16xi32>,
      %mul3A_563 = arith.constant 3 : i32
      %mul3A_564 = vector.broadcast %mul3A_563 : i32 to vector<16xi32>
      %mul3A_565 = arith.muli %get3A_562, %mul3A_564 : vector<16xi32>
      %add3A_566 = arith.constant 0 : i32
      %add3A_567 = vector.broadcast %add3A_566 : i32 to vector<16xi32>
      %add3A_568 = arith.addi %mul3A_565, %add3A_567 : vector<16xi32>
      %gather3A_569 = tpu.vector_load_idx %arg5[%add3A_568] : memref<24576xf32, #tpu.memory_space<vmem>>[vector<16xi32>], vector<16xf32>,
      %swap3A_570 = arith.constant 14 : i32
      %swap3A_571 = arith.constant 0 : i32
      %swap3A_572 = arith.index_cast %swap3A_570 : i32 to index
      %swap3A_573 = arith.index_cast %swap3A_571 : i32 to index
      %swap3A_574 = arith.index_cast %mul3A_43 : i32 to index
      %swap3A_575 = tpu.vector_load %arg7[%swap3A_572, %swap3A_573, %swap3A_574] {strides = array<i32>} : memref<16x3x1024xf32, #tpu.memory_space<vmem>>, vector<16xf32>,
      tpu.vector_store %arg7[%swap3A_572, %swap3A_573, %swap3A_574], %gather3A_569 {strides = array<i32>} : memref<16x3x1024xf32, #tpu.memory_space<vmem>>, vector<16xf32>,
      %add3A_576 = arith.constant 1 : i32
      %add3A_577 = vector.broadcast %add3A_576 : i32 to vector<16xi32>
      %add3A_578 = arith.addi %mul3A_565, %add3A_577 : vector<16xi32>
      %gather3A_579 = tpu.vector_load_idx %arg5[%add3A_578] : memref<24576xf32, #tpu.memory_space<vmem>>[vector<16xi32>], vector<16xf32>,
      %swap3A_580 = arith.constant 14 : i32
      %swap3A_581 = arith.constant 1 : i32
      %swap3A_582 = arith.index_cast %swap3A_580 : i32 to index
      %swap3A_583 = arith.index_cast %swap3A_581 : i32 to index
      %swap3A_584 = arith.index_cast %mul3A_43 : i32 to index
      %swap3A_585 = tpu.vector_load %arg7[%swap3A_582, %swap3A_583, %swap3A_584] {strides = array<i32>} : memref<16x3x1024xf32, #tpu.memory_space<vmem>>, vector<16xf32>,
      tpu.vector_store %arg7[%swap3A_582, %swap3A_583, %swap3A_584], %gather3A_579 {strides = array<i32>} : memref<16x3x1024xf32, #tpu.memory_space<vmem>>, vector<16xf32>,
      %add3A_586 = arith.constant 2 : i32
      %add3A_587 = vector.broadcast %add3A_586 : i32 to vector<16xi32>
      %add3A_588 = arith.addi %mul3A_565, %add3A_587 : vector<16xi32>
      %gather3A_589 = tpu.vector_load_idx %arg5[%add3A_588] : memref<24576xf32, #tpu.memory_space<vmem>>[vector<16xi32>], vector<16xf32>,
      %swap3A_590 = arith.constant 14 : i32
      %swap3A_591 = arith.constant 2 : i32
      %swap3A_592 = arith.index_cast %swap3A_590 : i32 to index
      %swap3A_593 = arith.index_cast %swap3A_591 : i32 to index
      %swap3A_594 = arith.index_cast %mul3A_43 : i32 to index
      %swap3A_595 = tpu.vector_load %arg7[%swap3A_592, %swap3A_593, %swap3A_594] {strides = array<i32>} : memref<16x3x1024xf32, #tpu.memory_space<vmem>>, vector<16xf32>,
      tpu.vector_store %arg7[%swap3A_592, %swap3A_593, %swap3A_594], %gather3A_589 {strides = array<i32>} : memref<16x3x1024xf32, #tpu.memory_space<vmem>>, vector<16xf32>,
      %get3A_596 = arith.constant 15 : i32
      %get3A_597 = arith.index_cast %get3A_596 : i32 to index
      %get3A_598 = arith.index_cast %mul3A_43 : i32 to index
      %get3A_599 = tpu.vector_load %arg6[%get3A_597, %get3A_598] {strides = array<i32>} : memref<16x1024xi32, #tpu.memory_space<vmem>>, vector<16xi32>,
      %mul3A_600 = arith.constant 3 : i32
      %mul3A_601 = vector.broadcast %mul3A_600 : i32 to vector<16xi32>
      %mul3A_602 = arith.muli %get3A_599, %mul3A_601 : vector<16xi32>
      %add3A_603 = arith.constant 0 : i32
      %add3A_604 = vector.broadcast %add3A_603 : i32 to vector<16xi32>
      %add3A_605 = arith.addi %mul3A_602, %add3A_604 : vector<16xi32>
      %gather3A_606 = tpu.vector_load_idx %arg5[%add3A_605] : memref<24576xf32, #tpu.memory_space<vmem>>[vector<16xi32>], vector<16xf32>,
      %swap3A_607 = arith.constant 15 : i32
      %swap3A_608 = arith.constant 0 : i32
      %swap3A_609 = arith.index_cast %swap3A_607 : i32 to index
      %swap3A_610 = arith.index_cast %swap3A_608 : i32 to index
      %swap3A_611 = arith.index_cast %mul3A_43 : i32 to index
      %swap3A_612 = tpu.vector_load %arg7[%swap3A_609, %swap3A_610, %swap3A_611] {strides = array<i32>} : memref<16x3x1024xf32, #tpu.memory_space<vmem>>, vector<16xf32>,
      tpu.vector_store %arg7[%swap3A_609, %swap3A_610, %swap3A_611], %gather3A_606 {strides = array<i32>} : memref<16x3x1024xf32, #tpu.memory_space<vmem>>, vector<16xf32>,
      %add3A_613 = arith.constant 1 : i32
      %add3A_614 = vector.broadcast %add3A_613 : i32 to vector<16xi32>
      %add3A_615 = arith.addi %mul3A_602, %add3A_614 : vector<16xi32>
      %gather3A_616 = tpu.vector_load_idx %arg5[%add3A_615] : memref<24576xf32, #tpu.memory_space<vmem>>[vector<16xi32>], vector<16xf32>,
      %swap3A_617 = arith.constant 15 : i32
      %swap3A_618 = arith.constant 1 : i32
      %swap3A_619 = arith.index_cast %swap3A_617 : i32 to index
      %swap3A_620 = arith.index_cast %swap3A_618 : i32 to index
      %swap3A_621 = arith.index_cast %mul3A_43 : i32 to index
      %swap3A_622 = tpu.vector_load %arg7[%swap3A_619, %swap3A_620, %swap3A_621] {strides = array<i32>} : memref<16x3x1024xf32, #tpu.memory_space<vmem>>, vector<16xf32>,
      tpu.vector_store %arg7[%swap3A_619, %swap3A_620, %swap3A_621], %gather3A_616 {strides = array<i32>} : memref<16x3x1024xf32, #tpu.memory_space<vmem>>, vector<16xf32>,
      %add3A_623 = arith.constant 2 : i32
      %add3A_624 = vector.broadcast %add3A_623 : i32 to vector<16xi32>
      %add3A_625 = arith.addi %mul3A_602, %add3A_624 : vector<16xi32>
      %gather3A_626 = tpu.vector_load_idx %arg5[%add3A_625] : memref<24576xf32, #tpu.memory_space<vmem>>[vector<16xi32>], vector<16xf32>,
      %swap3A_627 = arith.constant 15 : i32
      %swap3A_628 = arith.constant 2 : i32
      %swap3A_629 = arith.index_cast %swap3A_627 : i32 to index
      %swap3A_630 = arith.index_cast %swap3A_628 : i32 to index
      %swap3A_631 = arith.index_cast %mul3A_43 : i32 to index
      %swap3A_632 = tpu.vector_load %arg7[%swap3A_629, %swap3A_630, %swap3A_631] {strides = array<i32>} : memref<16x3x1024xf32, #tpu.memory_space<vmem>>, vector<16xf32>,
      tpu.vector_store %arg7[%swap3A_629, %swap3A_630, %swap3A_631], %gather3A_626 {strides = array<i32>} : memref<16x3x1024xf32, #tpu.memory_space<vmem>>, vector<16xf32>,
    }
    %scan3A_36 = arith.constant 64 : i32
    "tpu.region"() ({
      %run_scoped3A = tpu.sem_alloc : memref<!tpu.dma_semaphore, #tpu.memory_space<semaphore_mem>>
      %dma_start3A = arith.constant 0 : i32
      %dma_start3A_37 = arith.constant 0 : i32
      %dma_start3A_38 = tpu.memref_slice %arg4[%select_n3A, %dma_start3A, %dma_start3A_37, %mul3A_32] : memref<4x16x3x8192xf32, #tpu.memory_space<hbm>> -> memref<1x16x3x1024xf32, #tpu.memory_space<hbm>>
      %dma_start3A_39 = tpu.memref_squeeze %dma_start3A_38 : memref<1x16x3x1024xf32, #tpu.memory_space<hbm>> -> memref<16x3x1024xf32, #tpu.memory_space<hbm>>
      %dma_start3A_40 = arith.constant 0 : i32
      %dma_start3A_41 = arith.constant 0 : i32
      %dma_start3A_42 = tpu.memref_slice %arg4[%select_n3A, %dma_start3A_40, %dma_start3A_41, %mul3A_32] : memref<4x16x3x8192xf32, #tpu.memory_space<hbm>> -> memref<1x16x3x1024xf32, #tpu.memory_space<hbm>>
      %dma_start3A_43 = tpu.memref_squeeze %dma_start3A_42 : memref<1x16x3x1024xf32, #tpu.memory_space<hbm>> -> memref<16x3x1024xf32, #tpu.memory_space<hbm>>
      tpu.enqueue_dma source(%arg7 : memref<16x3x1024xf32, #tpu.memory_space<vmem>>) target(%dma_start3A_43 : memref<16x3x1024xf32, #tpu.memory_space<hbm>>) target_semaphore(%run_scoped3A : memref<!tpu.dma_semaphore, #tpu.memory_space<semaphore_mem>>)
      %dma_wait3A = arith.constant 0 : i32
      %dma_wait3A_44 = arith.constant 0 : i32
      %dma_wait3A_45 = tpu.memref_slice %arg4[%select_n3A, %dma_wait3A, %dma_wait3A_44, %mul3A_32] : memref<4x16x3x8192xf32, #tpu.memory_space<hbm>> -> memref<1x16x3x1024xf32, #tpu.memory_space<hbm>>
      %dma_wait3A_46 = tpu.memref_squeeze %dma_wait3A_45 : memref<1x16x3x1024xf32, #tpu.memory_space<hbm>> -> memref<16x3x1024xf32, #tpu.memory_space<hbm>>
      %dma_wait3A_47 = arith.constant 0 : i32
      %dma_wait3A_48 = arith.constant 0 : i32
      %dma_wait3A_49 = tpu.memref_slice %arg4[%select_n3A, %dma_wait3A_47, %dma_wait3A_48, %mul3A_32] : memref<4x16x3x8192xf32, #tpu.memory_space<hbm>> -> memref<1x16x3x1024xf32, #tpu.memory_space<hbm>>
      %dma_wait3A_50 = tpu.memref_squeeze %dma_wait3A_49 : memref<1x16x3x1024xf32, #tpu.memory_space<hbm>> -> memref<16x3x1024xf32, #tpu.memory_space<hbm>>
      tpu.wait_dma2 semaphore(%run_scoped3A : memref<!tpu.dma_semaphore, #tpu.memory_space<semaphore_mem>>) src(%arg7 : memref<16x3x1024xf32, #tpu.memory_space<vmem>>) dst(%dma_wait3A_50 : memref<16x3x1024xf32, #tpu.memory_space<hbm>>)
      tpu.yield
    }) : () -> ()
    return
  }
}

module attributes {stable_mosaic.version = 14 : i64} {
  func.func @_tc_body(%arg0: i32, %arg1: i32, %arg2: memref<1x16x3x2048xf32, #tpu.memory_space<vmem>>, %arg3: memref<1x3x2048xf32, #tpu.memory_space<vmem>>, %arg4: memref<256x64xf32, #tpu.memory_space<vmem>>, %arg5: memref<256x256xf32, #tpu.memory_space<vmem>>, %arg6: memref<256x256xf32, #tpu.memory_space<vmem>>, %arg7: memref<16x16xf32, #tpu.memory_space<vmem>>, %arg8: memref<16x16xf32, #tpu.memory_space<vmem>>, %arg9: memref<1x16x3x2048xf32, #tpu.memory_space<vmem>>) attributes {dimension_semantics = [#tpu.dimension_semantics<parallel>, #tpu.dimension_semantics<parallel>], iteration_bounds = array<i64: 4, 4>, scalar_prefetch = 0 : i64, scratch_operands = 0 : i64, tpu.core_type = #tpu.core_type<tc>, window_params = [{transform_indices = @transform_0, window_bounds = array<i64: 1, 16, 3, 2048>}, {transform_indices = @transform_1, window_bounds = array<i64: 1, 3, 2048>}, {pipeline_mode = #tpu.pipeline_mode<synchronous>, transform_indices = @transform_2, window_bounds = array<i64: 256, 64>}, {pipeline_mode = #tpu.pipeline_mode<synchronous>, transform_indices = @transform_3, window_bounds = array<i64: 256, 256>}, {pipeline_mode = #tpu.pipeline_mode<synchronous>, transform_indices = @transform_4, window_bounds = array<i64: 256, 256>}, {pipeline_mode = #tpu.pipeline_mode<synchronous>, transform_indices = @transform_5, window_bounds = array<i64: 16, 16>}, {pipeline_mode = #tpu.pipeline_mode<synchronous>, transform_indices = @transform_6, window_bounds = array<i64: 16, 16>}, {transform_indices = @transform_7, window_bounds = array<i64: 1, 16, 3, 2048>}]} {
    %get3A = arith.constant 0 : index
    %get3A_0 = arith.constant 0 : index
    %get3A_1 = arith.constant 0 : index
    %get3A_2 = arith.constant 0 : index
    %get3A_3 = vector.load %arg2[%get3A, %get3A_0, %get3A_1, %get3A_2] : memref<1x16x3x2048xf32, #tpu.memory_space<vmem>>, vector<1x16x3x2048xf32>
    %get3A_4 = vector.shape_cast %get3A_3 : vector<1x16x3x2048xf32> to vector<16x3x2048xf32>
    %reshape3A = vector.shape_cast %get3A_4 : vector<16x3x2048xf32> to vector<16x6144xf32>
    %get3A_5 = arith.constant 0 : index
    %get3A_6 = arith.constant 0 : index
    %get3A_7 = arith.constant 0 : index
    %get3A_8 = vector.load %arg3[%get3A_5, %get3A_6, %get3A_7] : memref<1x3x2048xf32, #tpu.memory_space<vmem>>, vector<1x3x2048xf32>
    %broadcast_in_dim3A = vector.shape_cast %get3A_8 : vector<1x3x2048xf32> to vector<1x3x2048xf32>
    %broadcast_in_dim3A_9 = vector.broadcast %broadcast_in_dim3A : vector<1x3x2048xf32> to vector<16x3x2048xf32>
    %reshape3A_10 = vector.shape_cast %broadcast_in_dim3A_9 : vector<16x3x2048xf32> to vector<16x6144xf32>
    %sub3A = arith.subf %reshape3A_10, %reshape3A : vector<16x6144xf32>
    %mul3A = arith.mulf %sub3A, %sub3A : vector<16x6144xf32>
    %slice3A = vector.extract_strided_slice %mul3A {offsets = [0, 0], sizes = [16, 2048], strides = [1, 1]} : vector<16x6144xf32> to vector<16x2048xf32>
    %slice3A_11 = vector.extract_strided_slice %mul3A {offsets = [0, 2048], sizes = [16, 2048], strides = [1, 1]} : vector<16x6144xf32> to vector<16x2048xf32>
    %add3A = arith.addf %slice3A, %slice3A_11 : vector<16x2048xf32>
    %slice3A_12 = vector.extract_strided_slice %mul3A {offsets = [0, 4096], sizes = [16, 2048], strides = [1, 1]} : vector<16x6144xf32> to vector<16x2048xf32>
    %add3A_13 = arith.addf %add3A, %slice3A_12 : vector<16x2048xf32>
    %sqrt3A = math.sqrt %add3A_13 : vector<16x2048xf32>
    %concatenate3A = tpu.concatenate %sqrt3A, %sqrt3A, %sqrt3A in 1 : vector<16x2048xf32>, vector<16x2048xf32>, vector<16x2048xf32> -> vector<16x6144xf32>
    %concatenate3A_14 = tpu.concatenate %concatenate3A, %sub3A, %reshape3A_10, %reshape3A in 0 : vector<16x6144xf32>, vector<16x6144xf32>, vector<16x6144xf32>, vector<16x6144xf32> -> vector<64x6144xf32>
    %get3A_15 = arith.constant 0 : index
    %get3A_16 = arith.constant 0 : index
    %get3A_17 = vector.load %arg4[%get3A_15, %get3A_16] : memref<256x64xf32, #tpu.memory_space<vmem>>, vector<256x64xf32>
    %dot_general3A = arith.constant dense<0.000000e+00> : vector<256x6144xf32>
    %dot_general3A_18 = tpu.matmul %get3A_17, %concatenate3A_14, %dot_general3A {dimension_numbers = #tpu.dot_dimension_numbers<[1], [0], [0], [1], [0, 0, 1, 1], [], []>, transpose_lhs_hint = false} : vector<256x64xf32>, vector<64x6144xf32>, vector<256x6144xf32> -> vector<256x6144xf32>
    %get3A_19 = arith.constant 0 : index
    %get3A_20 = arith.constant 0 : index
    %get3A_21 = vector.load %arg5[%get3A_19, %get3A_20] : memref<256x256xf32, #tpu.memory_space<vmem>>, vector<256x256xf32>
    %dot_general3A_22 = arith.constant dense<0.000000e+00> : vector<256x6144xf32>
    %dot_general3A_23 = tpu.matmul %get3A_21, %dot_general3A_18, %dot_general3A_22 {dimension_numbers = #tpu.dot_dimension_numbers<[1], [0], [0], [1], [0, 0, 1, 1], [], []>, transpose_lhs_hint = false} : vector<256x256xf32>, vector<256x6144xf32>, vector<256x6144xf32> -> vector<256x6144xf32>
    %reshape3A_24 = vector.shape_cast %dot_general3A_18 : vector<256x6144xf32> to vector<16x16x6144xf32>
    %reshape3A_25 = vector.shape_cast %dot_general3A_23 : vector<256x6144xf32> to vector<16x16x6144xf32>
    %mul3A_26 = arith.mulf %reshape3A_24, %reshape3A_25 : vector<16x16x6144xf32>
    %reduce_sum3A = arith.constant dense<0.000000e+00> : vector<16x6144xf32>
    %reduce_sum3A_27 = vector.multi_reduction <add>, %mul3A_26, %reduce_sum3A [0] : vector<16x16x6144xf32> to vector<16x6144xf32>
    %broadcast_in_dim3A_28 = vector.shape_cast %reduce_sum3A_27 : vector<16x6144xf32> to vector<1x16x6144xf32>
    %mul3A_29 = arith.mulf %reshape3A_25, %reshape3A_25 : vector<16x16x6144xf32>
    %reduce_sum3A_30 = arith.constant dense<0.000000e+00> : vector<16x6144xf32>
    %reduce_sum3A_31 = vector.multi_reduction <add>, %mul3A_29, %reduce_sum3A_30 [0] : vector<16x16x6144xf32> to vector<16x6144xf32>
    %broadcast_in_dim3A_32 = vector.shape_cast %reduce_sum3A_31 : vector<16x6144xf32> to vector<1x16x6144xf32>
    %ge3A = arith.constant 0.000000e+00 : f32
    %ge3A_33 = vector.broadcast %ge3A : f32 to vector<1x16x6144xf32>
    %ge3A_34 = arith.cmpf oge, %broadcast_in_dim3A_28, %ge3A_33 : vector<1x16x6144xf32>
    %mul3A_35 = arith.constant 8.000000e-01 : f32
    %mul3A_36 = vector.broadcast %mul3A_35 : f32 to vector<1x16x6144xf32>
    %mul3A_37 = arith.mulf %mul3A_36, %broadcast_in_dim3A_28 : vector<1x16x6144xf32>
    %add3A_38 = arith.constant 1.000000e-07 : f32
    %add3A_39 = vector.broadcast %add3A_38 : f32 to vector<1x16x6144xf32>
    %add3A_40 = arith.addf %broadcast_in_dim3A_32, %add3A_39 : vector<1x16x6144xf32>
    %div3A = arith.divf %mul3A_37, %add3A_40 : vector<1x16x6144xf32>
    %jit3A = arith.constant 0.000000e+00 : f32
    %broadcast_in_dim3A_41 = vector.broadcast %jit3A : f32 to vector<1x16x6144xf32>
    %select_n3A = arith.select %ge3A_34, %broadcast_in_dim3A_41, %div3A : vector<1x16x6144xi1>, vector<1x16x6144xf32>
    %mul3A_42 = vector.broadcast %select_n3A : vector<1x16x6144xf32> to vector<16x16x6144xf32>
    %mul3A_43 = arith.mulf %mul3A_42, %reshape3A_25 : vector<16x16x6144xf32>
    %sub3A_44 = arith.subf %reshape3A_24, %mul3A_43 : vector<16x16x6144xf32>
    %reshape3A_45 = vector.shape_cast %sub3A_44 : vector<16x16x6144xf32> to vector<256x6144xf32>
    %get3A_46 = arith.constant 0 : index
    %get3A_47 = arith.constant 0 : index
    %get3A_48 = vector.load %arg6[%get3A_46, %get3A_47] : memref<256x256xf32, #tpu.memory_space<vmem>>, vector<256x256xf32>
    %dot_general3A_49 = arith.constant dense<0.000000e+00> : vector<256x6144xf32>
    %dot_general3A_50 = tpu.matmul %get3A_48, %reshape3A_45, %dot_general3A_49 {dimension_numbers = #tpu.dot_dimension_numbers<[1], [0], [0], [1], [0, 0, 1, 1], [], []>, transpose_lhs_hint = false} : vector<256x256xf32>, vector<256x6144xf32>, vector<256x6144xf32> -> vector<256x6144xf32>
    %reshape3A_51 = vector.shape_cast %dot_general3A_50 : vector<256x6144xf32> to vector<16x16x6144xf32>
    %reduce_max3A = arith.constant dense<0xFF800000> : vector<16x6144xf32>
    %reduce_max3A_52 = vector.multi_reduction <maximumf>, %reshape3A_51, %reduce_max3A [1] : vector<16x16x6144xf32> to vector<16x6144xf32>
    %broadcast_in_dim3A_53 = vector.shape_cast %reduce_max3A_52 : vector<16x6144xf32> to vector<16x1x6144xf32>
    %sub3A_54 = vector.broadcast %broadcast_in_dim3A_53 : vector<16x1x6144xf32> to vector<16x16x6144xf32>
    %sub3A_55 = arith.subf %reshape3A_51, %sub3A_54 : vector<16x16x6144xf32>
    %exp3A = math.exp %sub3A_55 : vector<16x16x6144xf32>
    %reshape3A_56 = vector.shape_cast %reshape3A_45 : vector<256x6144xf32> to vector<16x16x6144xf32>
    %mul3A_57 = arith.mulf %reshape3A_56, %exp3A : vector<16x16x6144xf32>
    %reduce_sum3A_58 = arith.constant dense<0.000000e+00> : vector<16x6144xf32>
    %reduce_sum3A_59 = vector.multi_reduction <add>, %mul3A_57, %reduce_sum3A_58 [1] : vector<16x16x6144xf32> to vector<16x6144xf32>
    %reduce_sum3A_60 = arith.constant dense<0.000000e+00> : vector<16x6144xf32>
    %reduce_sum3A_61 = vector.multi_reduction <add>, %exp3A, %reduce_sum3A_60 [1] : vector<16x16x6144xf32> to vector<16x6144xf32>
    %div3A_62 = arith.divf %reduce_sum3A_59, %reduce_sum3A_61 : vector<16x6144xf32>
    %get3A_63 = arith.constant 0 : index
    %get3A_64 = arith.constant 0 : index
    %get3A_65 = vector.load %arg7[%get3A_63, %get3A_64] : memref<16x16xf32, #tpu.memory_space<vmem>>, vector<16x16xf32>
    %dot_general3A_66 = arith.constant dense<0.000000e+00> : vector<16x6144xf32>
    %dot_general3A_67 = tpu.matmul %get3A_65, %div3A_62, %dot_general3A_66 {dimension_numbers = #tpu.dot_dimension_numbers<[1], [0], [0], [1], [0, 0, 1, 1], [], []>, transpose_lhs_hint = false} : vector<16x16xf32>, vector<16x6144xf32>, vector<16x6144xf32> -> vector<16x6144xf32>
    %get3A_68 = arith.constant 0 : index
    %get3A_69 = arith.constant 0 : index
    %get3A_70 = vector.load %arg8[%get3A_68, %get3A_69] : memref<16x16xf32, #tpu.memory_space<vmem>>, vector<16x16xf32>
    %dot_general3A_71 = arith.constant dense<0.000000e+00> : vector<16x6144xf32>
    %dot_general3A_72 = tpu.matmul %get3A_70, %dot_general3A_67, %dot_general3A_71 {dimension_numbers = #tpu.dot_dimension_numbers<[1], [0], [0], [1], [0, 0, 1, 1], [], []>, transpose_lhs_hint = false} : vector<16x16xf32>, vector<16x6144xf32>, vector<16x6144xf32> -> vector<16x6144xf32>
    %mul3A_73 = arith.mulf %dot_general3A_67, %dot_general3A_72 : vector<16x6144xf32>
    %reduce_sum3A_74 = arith.constant dense<0.000000e+00> : vector<6144xf32>
    %reduce_sum3A_75 = vector.multi_reduction <add>, %mul3A_73, %reduce_sum3A_74 [0] : vector<16x6144xf32> to vector<6144xf32>
    %broadcast_in_dim3A_76 = vector.shape_cast %reduce_sum3A_75 : vector<6144xf32> to vector<1x6144xf32>
    %mul3A_77 = arith.mulf %dot_general3A_72, %dot_general3A_72 : vector<16x6144xf32>
    %reduce_sum3A_78 = arith.constant dense<0.000000e+00> : vector<6144xf32>
    %reduce_sum3A_79 = vector.multi_reduction <add>, %mul3A_77, %reduce_sum3A_78 [0] : vector<16x6144xf32> to vector<6144xf32>
    %broadcast_in_dim3A_80 = vector.shape_cast %reduce_sum3A_79 : vector<6144xf32> to vector<1x6144xf32>
    %ge3A_81 = arith.constant 0.000000e+00 : f32
    %ge3A_82 = vector.broadcast %ge3A_81 : f32 to vector<1x6144xf32>
    %ge3A_83 = arith.cmpf oge, %broadcast_in_dim3A_76, %ge3A_82 : vector<1x6144xf32>
    %mul3A_84 = arith.constant 8.000000e-01 : f32
    %mul3A_85 = vector.broadcast %mul3A_84 : f32 to vector<1x6144xf32>
    %mul3A_86 = arith.mulf %mul3A_85, %broadcast_in_dim3A_76 : vector<1x6144xf32>
    %add3A_87 = arith.constant 1.000000e-07 : f32
    %add3A_88 = vector.broadcast %add3A_87 : f32 to vector<1x6144xf32>
    %add3A_89 = arith.addf %broadcast_in_dim3A_80, %add3A_88 : vector<1x6144xf32>
    %div3A_90 = arith.divf %mul3A_86, %add3A_89 : vector<1x6144xf32>
    %jit3A_91 = arith.constant 0.000000e+00 : f32
    %broadcast_in_dim3A_92 = vector.broadcast %jit3A_91 : f32 to vector<1x6144xf32>
    %select_n3A_93 = arith.select %ge3A_83, %broadcast_in_dim3A_92, %div3A_90 : vector<1x6144xi1>, vector<1x6144xf32>
    %mul3A_94 = vector.broadcast %select_n3A_93 : vector<1x6144xf32> to vector<16x6144xf32>
    %mul3A_95 = arith.mulf %mul3A_94, %dot_general3A_72 : vector<16x6144xf32>
    %sub3A_96 = arith.subf %dot_general3A_67, %mul3A_95 : vector<16x6144xf32>
    %reshape3A_97 = vector.shape_cast %sub3A_96 : vector<16x6144xf32> to vector<1x16x3x2048xf32>
    %swap3A = arith.constant 0 : index
    %swap3A_98 = arith.constant 0 : index
    %swap3A_99 = arith.constant 0 : index
    %swap3A_100 = arith.constant 0 : index
    %swap3A_101 = vector.load %arg9[%swap3A, %swap3A_98, %swap3A_99, %swap3A_100] : memref<1x16x3x2048xf32, #tpu.memory_space<vmem>>, vector<1x16x3x2048xf32>
    tpu.vector_store %arg9[%swap3A, %swap3A_98, %swap3A_99, %swap3A_100], %reshape3A_97 {strides = array<i32>} : memref<1x16x3x2048xf32, #tpu.memory_space<vmem>>, vector<1x16x3x2048xf32>,
    return
  }
  func.func @transform_0(%arg0: i32, %arg1: i32) -> (i32, i32, i32, i32) {
    %c0_i32 = arith.constant 0 : i32
    %c0_i32_0 = arith.constant 0 : i32
    %c0_i32_1 = arith.constant 0 : i32
    return %arg0, %c0_i32, %c0_i32_0, %arg1 : i32, i32, i32, i32
  }
  func.func @transform_1(%arg0: i32, %arg1: i32) -> (i32, i32, i32) {
    %c0_i32 = arith.constant 0 : i32
    %c0_i32_0 = arith.constant 0 : i32
    return %arg0, %c0_i32, %arg1 : i32, i32, i32
  }
  func.func @transform_2(%arg0: i32, %arg1: i32) -> (i32, i32) {
    %c0_i32 = arith.constant 0 : i32
    %c0_i32_0 = arith.constant 0 : i32
    %c0_i32_1 = arith.constant 0 : i32
    return %c0_i32, %c0_i32_0 : i32, i32
  }
  func.func @transform_3(%arg0: i32, %arg1: i32) -> (i32, i32) {
    %c0_i32 = arith.constant 0 : i32
    %c0_i32_0 = arith.constant 0 : i32
    %c0_i32_1 = arith.constant 0 : i32
    return %c0_i32, %c0_i32_0 : i32, i32
  }
  func.func @transform_4(%arg0: i32, %arg1: i32) -> (i32, i32) {
    %c0_i32 = arith.constant 0 : i32
    %c0_i32_0 = arith.constant 0 : i32
    %c0_i32_1 = arith.constant 0 : i32
    return %c0_i32, %c0_i32_0 : i32, i32
  }
  func.func @transform_5(%arg0: i32, %arg1: i32) -> (i32, i32) {
    %c0_i32 = arith.constant 0 : i32
    %c0_i32_0 = arith.constant 0 : i32
    %c0_i32_1 = arith.constant 0 : i32
    return %c0_i32, %c0_i32_0 : i32, i32
  }
  func.func @transform_6(%arg0: i32, %arg1: i32) -> (i32, i32) {
    %c0_i32 = arith.constant 0 : i32
    %c0_i32_0 = arith.constant 0 : i32
    %c0_i32_1 = arith.constant 0 : i32
    return %c0_i32, %c0_i32_0 : i32, i32
  }
  func.func @transform_7(%arg0: i32, %arg1: i32) -> (i32, i32, i32, i32) {
    %c0_i32 = arith.constant 0 : i32
    %c0_i32_0 = arith.constant 0 : i32
    %c0_i32_1 = arith.constant 0 : i32
    return %arg0, %c0_i32, %c0_i32_0, %arg1 : i32, i32, i32, i32
  }
}

</mosaic_0001>

<sc_bundles>
// kernel: kernel.4.cloned.1.call-start
scs
__scs_entry_jumppad:
0x0: {  	(pc) =	sbr.rel $0x88, $3  }
0x1: {  	(tag) =	ssettag $0x0;
	lr =	simm.s32 $0x1  }
0x2: {  	[smem:$0x3F9A] =	sst lr;
	_ =	strace $0xD0000000  }
0x3: {  	_ = 	snop  }
0x4: {  	_ = 	snop  }
0x5: {  	_ = 	snop  }
0x6: {  	_ = 	snop  }
0x7: {  	_ = 	snop  }
__scs_overlays_trampoline_lowered:
0x8: {  	[smem:$0x3FA9] =	sst s0  }
0x9: {  	[smem:$0x3FAA] =	sst s1  }
0xa: {  	[smem:$0x3FAB] =	sst s2  }
0xb: {  	[smem:$0x3FAC] =	sst s3  }
0xc: {  	[smem:$0x3FAD] =	sst s4  }
0xd: {  	[smem:$0x3FAE] =	sst s5  }
0xe: {  	[smem:$0x3FAF] =	sst s6  }
0xf: {  	[smem:$0x3FB0] =	sst s7  }
0x10: {  	[smem:$0x3FB1] =	sst s8  }
0x11: {  	[smem:$0x3FB2] =	sst s9;
	s0 =	simm.s32 @!p0 $0x0  }
0x12: {  	s1 =	sld [smem:$0x3F98];
	s0 =	simm.s32 @p0 $0x1  }
0x13: {  	[smem:$0x3FB3] =	sst s0;
	s0 =	simm.s32 @!p1 $0x0  }
0x14: {  	s2 =	sld [smem:$0x3F97];
	s0 =	simm.s32 @p1 $0x1  }
0x15: {  	[smem:$0x3FB4] =	sst s0;
	s0 =	simm.s32 @!p2 $0x0  }
0x16: {  	s3 =	sld [smem:$0x3FDB];
	s0 =	simm.s32 @p2 $0x1  }
0x17: {  	s4 =	simm.s32 $0x1BF5;
	[smem:$0x3FB6] =	sst s0  }
0x18: {  	s0 =	sld [smem:$0x3F99];
	_ =	swait.ge [sflag:s4], $0x0  }
0x19: {  	s7 =	sld [smem:$0x3F9A]  }
0x1a: {  	s8 =	sadd.s32 $0xFFFFE003, lr  }
0x1b: {  	s9 =	sadd.s32 $0xFFFFFEF7, lr;
	s5 =	simm.s32 $0xFFFFFFFF;
	p2 =	slt.u32 s8, $0xFFFFF086  }
0x1c: {  	p1 =	slt.u32 s9, $0xF7A;
	s5 =	simm.s32 @!p2 $0x0  }
0x1d: {  	s5 =	simm.s32 @p1 $0x1;
	p0 =	seq.s32 s7, s2  }
0x1e: {  	s7 =	smul.u32 @!p0 $0xF7A, s2;
	p2 =	seq.s32 @!p0 s5, $0x0  }
0x1f: {  	s9 =	smul.u32 $0xF7A, s1;
	s8 =	simm.s32 @!p0 $0x1BF5;
	p2 =	por !p2, p0  }
0x20: {  	[sflag:s8] =	ssyncset.s32 @!p0 $0xFFFFF086;
	s6 =	sadd.s32 @!p0 s3, s7;
	s7 =	simm.s32 @!p0 $0x108  }
0x21: {  	s3 =	sadd.s32 s3, s9;
	s6 =	sadd.s32 @!p0 $0x88, s6;
	s7 =	simm.s32 @p2 $0x1082  }
0x22: {  	[simem:s7], [sflag:s8] =	dma.local @!p0 [hbm:s6], $0xF7A  }
0x23: {  	s9 =	sor.u32 $0xD0000000, s2;
	s6 =	simm.s32 $0x108;
	_ =	swait.ge @!p0 [sflag:s8], $0x0  }
0x24: {  	s3 =	sadd.s32 $0x88, s3;
	s6 =	simm.s32 @!p1 $0x1082;
	[sflag:s4] =	ssyncset.s32 $0xFFFFF086  }
0x25: {  	[simem:s6], [sflag:s4] =	dma.local [hbm:s3], $0xF7A  }
0x26: {  	[smem:$0x3F9A] =	sst s1;
	(tag) =	ssettag s2;
	_ =	strace s9  }
0x27: {  	s1 =	sld [smem:$0x3FAA]  }
0x28: {  	s2 =	sld [smem:$0x3FAB]  }
0x29: {  	s4 =	sld [smem:$0x3FAD]  }
0x2a: {  	p0 =	seq.s32 s5, $0x0;
	s5 =	sld [smem:$0x3FAE]  }
0x2b: {  	s6 =	sld [smem:$0x3FAF]  }
0x2c: {  	s7 =	sld [smem:$0x3FB0]  }
0x2d: {  	s3 =	simm.s32 $0x108;
	s8 =	sld [smem:$0x3FB1]  }
0x2e: {  	s3 =	simm.s32 @!p0 $0x1082;
	s9 =	sld [smem:$0x3FB2]  }
0x2f: {  	lr =	sadd.s32 s0, s3;
	s0 =	sld [smem:$0x3FA9]  }
0x30: {  	s3 =	sld [smem:$0x3FAC]  }
0x31: {  	[smem:$0x3FB5] =	sst s10  }
0x32: {  	s10 =	sld [smem:$0x3FB3];
	_ =	sdelay $0x3  }
0x33: {  	p0 =	seq.s32 s10, $0x1;
	s10 =	sld [smem:$0x3FB5];
	_ =	sdelay $0x3  }
0x34: {  	[smem:$0x3FB5] =	sst s10  }
0x35: {  	s10 =	sld [smem:$0x3FB4];
	_ =	sdelay $0x3  }
0x36: {  	p1 =	seq.s32 s10, $0x1;
	s10 =	sld [smem:$0x3FB5];
	_ =	sdelay $0x3  }
0x37: {  	[smem:$0x3FB5] =	sst s10  }
0x38: {  	s10 =	sld [smem:$0x3FB6]  }
0x39: {  	_ = 	snop;
	(pc) =	sbr.ind lr, $3  }
0x3a: {  	_ = 	snop  }
0x3b: {  	_ = 	snop  }
0x3c: {  	p2 =	seq.s32 s10, $0x1;
	s10 =	sld [smem:$0x3FB5]  }
0x3d: {  	_ =	shalt  }
0x3e: {  	_ =	shalt  }
0x3f: {  	_ =	shalt  }
0x40: {  	_ =	shalt  }
0x41: {  	_ =	shalt  }
0x42: {  	_ =	shalt  }
0x43: {  	_ =	shalt  }
0x44: {  	_ =	shalt  }
0x45: {  	_ =	shalt  }
0x46: {  	_ =	shalt  }
0x47: {  	_ =	shalt  }
0x48: {  	_ =	shalt  }
0x49: {  	_ =	shalt  }
0x4a: {  	_ =	shalt  }
0x4b: {  	_ =	shalt  }
0x4c: {  	_ =	shalt  }
0x4d: {  	_ =	shalt  }
0x4e: {  	_ =	shalt  }
0x4f: {  	_ =	shalt  }
0x50: {  	_ =	shalt  }
0x51: {  	_ =	shalt  }
0x52: {  	_ =	shalt  }
0x53: {  	_ =	shalt  }
0x54: {  	_ =	shalt  }
0x55: {  	_ =	shalt  }
0x56: {  	_ =	shalt  }
0x57: {  	_ =	shalt  }
0x58: {  	_ =	shalt  }
0x59: {  	_ =	shalt  }
0x5a: {  	_ =	shalt  }
0x5b: {  	_ =	shalt  }
0x5c: {  	_ =	shalt  }
0x5d: {  	_ =	shalt  }
0x5e: {  	_ =	shalt  }
0x5f: {  	_ =	shalt  }
0x60: {  	_ =	shalt  }
0x61: {  	_ =	shalt  }
0x62: {  	_ =	shalt  }
0x63: {  	_ =	shalt  }
0x64: {  	_ =	shalt  }
0x65: {  	_ =	shalt  }
0x66: {  	_ =	shalt  }
0x67: {  	_ =	shalt  }
0x68: {  	_ =	shalt  }
0x69: {  	_ =	shalt  }
0x6a: {  	_ =	shalt  }
0x6b: {  	_ =	shalt  }
0x6c: {  	_ =	shalt  }
0x6d: {  	_ =	shalt  }
0x6e: {  	_ =	shalt  }
0x6f: {  	_ =	shalt  }
0x70: {  	_ =	shalt  }
0x71: {  	_ =	shalt  }
0x72: {  	_ =	shalt  }
0x73: {  	_ =	shalt  }
0x74: {  	_ =	shalt  }
0x75: {  	_ =	shalt  }
0x76: {  	_ =	shalt  }
0x77: {  	_ =	shalt  }
0x78: {  	_ =	shalt  }
0x79: {  	_ =	shalt  }
0x7a: {  	_ =	shalt  }
0x7b: {  	_ =	shalt  }
0x7c: {  	_ =	shalt  }
0x7d: {  	_ =	shalt  }
0x7e: {  	_ =	shalt  }
0x7f: {  	_ =	shalt  }
0x80: {  	_ =	shalt  }
0x81: {  	_ =	shalt  }
0x82: {  	_ =	shalt  }
0x83: {  	_ =	shalt  }
0x84: {  	_ =	shalt  }
0x85: {  	_ =	shalt  }
0x86: {  	_ =	shalt  }
0x87: {  	_ =	shalt  }
.Lfunc_end0:
.L_simem_size_0:
called_computation_lowered:
.L_overlay_start_0:
0x88: {  	s2 =	sld [smem:$0x3FD9]  }
0x89: {  	s3 =	sld [smem:$0x3FFE];
	_ =	sdelay $0x1  }
0x8a: {  	s1 =	srdreg.scid  }
0x8b: {  	s0 =	sand.u32 $0x1, s1  }
0x8c: {  	s17 =	sshll.u32 s0, $0xA;
	s2 =	sadd.s32 s3, s2  }
0x8d: {  	s2 =	sadd.s32 s2, s17  }
0x8e: {  	[smem:$0x3FC1] =	sst s2  }
0x8f: {  	_ = 	snop  }
0x90: {  	s2 =	sld [smem:$0x3FC8]  }
0x91: {  	s18 =	sld [smem:$0x3FD0];
	(tm) =	ssettm $0x1  }
0x92: {  	s4 =	sld [smem:$0x3FFB];
	_ =	sdelay $0x3  }
0x93: {  	_ =	strace s4  }
0x94: {  	s4 =	sld [smem:$0x3FFC];
	_ =	sdelay $0x3  }
0x95: {  	_ =	strace s4  }
0x96: {  	s4 =	sld [smem:$0x3FFD];
	_ =	sdelay $0x3  }
0x97: {  	_ =	strace s4  }
0x98: {  	_ =	strace $0x8FFFFFFF  }
0x99: {  	s19 =	sld [smem:$0x3FDB];
	_ =	sdelay $0x1  }
0x9a: {  	s5 =	simm.s32 $_scs_section_size  }
0x9b: {  	s6 =	simm.s32 $_size__tile_overlayer_lowered;
	s7 =	simm.s32 $_tile_overlayer_lowered  }
0x9c: {  	s22 =	simm.s32 $0x1BFF;
	s21 =	sshll.u32 s7, $0x1;
	s4 =	sadd.s32 s5, s19  }
0x9d: {  	s8 =	simm.s32 $0x0;
	s20 =	sshll.u32 s6, $0x1;
	s6 =	sadd.s32 s21, s4  }
0x9e: {  	[timem:s8], [sflag:s22] =	dma.local [hbm:s6], s20  }
0x9f: {  	_ =	swait.ge [sflag:s22], s20  }
0xa0: {  	s5 =	ssub.s32 $0x0, s20;
	[sflag:s22] =	ssyncset.done $0x0  }
0xa1: {  	[sflag:s22] =	ssyncadd.s32 s5;
	_ =	sdelay $0x1  }
0xa2: {  	s23 =	simm.s32 $0x1B8B  }
0xa3: {  	_ =	swait.ge [sflag:s23], $0x1  }
0xa4: {  	[sflag:s23] =	ssyncset.done $0x0  }
0xa5: {  	s25 =	simm.s32 $0x1B8E;
	s24 =	sld [smem:$0x3FFE];
	[sflag:s23] =	ssyncadd.s32 $0xFFFFFFFF  }
0xa6: {  	s26 =	simm.s32 $execute0_lowered;
	[smem:$0x3FD2] =	sst s25  }
0xa7: {  	s6 =	sshll.u32 s26, $0x1;
	_ =	strace $0x80000046;
	[dreg:$0x1] =	wrdreg $0xFFFFFFFF  }
0xa8: {  	s28 =	simm.s32 $_size_execute0_lowered;
	s4 =	sadd.s32 s4, s6;
	[dreg:$0x0] =	wrdreg $0x0  }
0xa9: {  	s6 =	sshll.u32 s28, $0x1;
	[dreg:$0x2] =	wrdreg s4  }
0xaa: {  	[dreg:$0x3] =	wrdreg s6  }
0xab: {  	[dreg:$0x4] =	wrdreg $0xC0  }
0xac: {  	_ =	task [dreg:s8], $0x5FFFF  }
0xad: {  	[dreg:$0x1] =	wrdreg $0xFFFFFFFF  }
0xae: {  	[dreg:$0x0] =	wrdreg $0x60  }
0xaf: {  	[dreg:$0x2] =	wrdreg s18  }
0xb0: {  	[dreg:$0x3] =	wrdreg s2  }
0xb1: {  	[dreg:$0x4] =	wrdreg s24  }
0xb2: {  	[dreg:$0x5] =	wrdreg $0x9  }
0xb3: {  	_ =	task.clear_ibuf [dreg:s8], $0x6FFFF;
	_ =	strace $0x90000046  }
0xb4: {  	s29 =	simm.s32 $0x9;
	_ =	strace $0x80000048  }
0xb5: {  	_ =	swait.ge [sflag:s29], $0x1  }
0xb6: {  	[sflag:s29] =	ssyncadd.s32 $0xFFFFFFFF  }
0xb7: {  	_ =	strace $0x90000048  }
0xb8: {  	_ =	sfence  }
0xb9: {  	s30 =	sld [smem:$0x0];
	_ =	sdelay $0x2  }
0xba: {  	s31 =	sshll.u32 s1, $0xD;
	s1 =	sshrl.u32 s1, $0x2  }
0xbb: {  	s3 =	sand.u32 $0x4000, s31;
	s1 =	sadd.s32 s1, s30  }
0xbc: {  	s0 =	sor.u32 s3, s0;
	s1 =	sshll.u32 s1, $0x11  }
0xbd: {  	s0 =	sor.u32 s1, s0  }
0xbe: {  	s0 =	sadd.s32 $0x8F2B, s0  }
0xbf: {  	[sflag:s0] =	ssyncadd.remote.s32 $0x1  }
0xc0: {  	_ =	sfence.sel $0xFFFF  }
0xc1: {  	[dreg:$0x0] =	wrdreg $0xFFFFFFFF;
	(pc) =	sbr.abs _section_cstart, $3  }
0xc2: {  	[dreg:$0x1] =	wrdreg $0xFFFFFFFF  }
0xc3: {  	_ =	task.clear_ibuf [dreg:s8], $0x2FFFF;
	_ =	strace $0x9FFFFFFF  }
0xc4: {  	(tm) =	ssettm $0x7FFFFFFF  }
0xc5: {  	_ =	shalt  }
tec
execute0_lowered:
.L_overlay_start_1:
0x0: {  	(tag) =	ssettag $0x1  }
0x1: {  	s3 =	rddreg [dreg:$0x0]  }
0x2: {  	s4 =	rddreg [dreg:$0x1]  }
0x3: {  	s5 =	rddreg [dreg:$0x2]  }
0x4: {  	s0 =	rddreg [dreg:$0x3];
	s2 =	simm.s32 $0x0;
	s6 =	srdreg.scid  }
0x5: {  	s1 =	stileid.u32;
	s12 =	simm.s32 $0x6000;
	s13 =	simm.s32 $0x1000  }
0x6: {  	s14 =	simm.s32 $0x8000;
	s15 =	simm.s32 $0xA000;
	s16 =	simm.s32 $0x0  }
0x7: {  	[smem:$0x7FF] =	sst s2;
	s6 =	sand.u32 $0x1, s6;
	s7 =	sshrl.u32 s1, $0x2  }
0x8: {  	s11 =	sshll.u32 s1, $0x1;
	_ =	strace $0x80000047;
	s8 =	ssub.s32 $0x2, s6  }
0x9: {  	s9 =	sshll.u32 s7, $0x10;
	s29 =	sand.u32 $0x6, s11;
	s30 =	sshll.u32 s7, $0x4  }
0xa: {  	s7 =	sshll.u32 s7, $0xE;
	s11 =	simm.s32 $0x10000;
	s10 =	sshrl.u32 s8, $0x1  }
0xb: {  	s5 =	sadd.s32 s9, s5;
	s6 =	sor.u32 s6, s29;
	s4 =	sadd.s32 s4, s7  }
0xc: {  	s3 =	sadd.s32 s3, s30;
	s7 =	simm.s32 $0x80;
	s9 =	simm.s32 $0x1  }
0xd: {  	s8 =	ssub.s32 s8, s10;
	s31 =	sshll.u32 s6, $0x9;
	s6 =	sshll.u32 s6, $0xA  }
0xe: {  	s10 =	simm.s32 $0x2000;
	s4 =	sadd.s32 s6, s4;
	s5 =	sadd.s32 s31, s5  }
0xf: {  	s6 =	smax.u32 s8, $0x1;
	s8 =	simm.s32 $0x200;
	s5 =	sadd.s32 $0x1400, s5  }
.LBB2_1:
0x10: {  	[tilespmem:s2], [sflag:$0x1] =	stream.strided.gather [hbm4b:s3+s7], $0x6000, s8, s7, $0x38;
	[tilespmem:$0x1A000] =	vst v63  }
0x11: {  	_ =	swait.ge [sflag:s9], $0x6000  }
0x12: {  	[sflag:s9] =	ssyncset.done $0x0  }
0x13: {  	[sflag:s9] =	ssyncadd.s32 $0xFFFFA000  }
0x14: {  	[tilespmem:s12], [sflag:$0x1] =	stream.strided.gather [hbm4b:s4+s10], $0x4000, s11, s10, $0x38;
	[tilespmem:$0x1A000] =	vst v63  }
0x15: {  	_ =	swait.ge [sflag:s9], $0x4000  }
0x16: {  	[sflag:s9] =	ssyncset.done $0x0  }
0x17: {  	s17 =	simm.s32 $0x0;
	s18 =	simm.s32 $0x0;
	[sflag:s9] =	ssyncadd.s32 $0xFFFFC000  }
.LBB2_2:
0x18: {  	s19 =	sshll.u32 s18, $0x7  }
0x19: {  	s21 =	sand.u32 $0x70, s17;
	s19 =	sand.u32 $0x3FFFFC00, s19  }
0x1a: {  	s20 =	sor.u32 s21, s19  }
0x1b: {  	v0 =	vld [tilespmem:s20+$0x6000];
	_ =	sdelay $0x4  }
0x1c: {  	v0 =	vmul.u32 $0x3, v0;
	_ =	sdelay $0x5  }
0x1d: {  	v1 =	vld.idx.msk [tilespmem:v0+s2+$0x0], $0xffff  }
0x1e: {  	v2 =	vadd.s32 $0x1, v0  }
0x1f: {  	s31 =	sshll.u32 s18, $0x6  }
0x20: {  	s19 =	sand.u32 $0x3FFFFE00, s31  }
0x21: {  	s19 =	sor.u32 s21, s19  }
0x22: {  	[tilespmem:s19+$0xA000] =	vst v1  }
0x23: {  	v1 =	vld.idx.msk [tilespmem:v2+s2+$0x0], $0xffff  }
0x24: {  	v0 =	vadd.s32 $0x2, v0;
	_ =	sdelay $0x3  }
0x25: {  	[tilespmem:s19+$0xA080] =	vst v1  }
0x26: {  	v0 =	vld.idx.msk [tilespmem:v0+s2+$0x0], $0xffff;
	_ =	sdelay $0x4  }
0x27: {  	[tilespmem:s19+$0xA100] =	vst v0  }
0x28: {  	v0 =	vld [tilespmem:s20+$0x6080];
	_ =	sdelay $0x4  }
0x29: {  	v0 =	vmul.u32 $0x3, v0;
	_ =	sdelay $0x5  }
0x2a: {  	v1 =	vld.idx.msk [tilespmem:v0+s2+$0x0], $0xffff  }
0x2b: {  	v49 =	vadd.s32 $0x1, v0;
	_ =	sdelay $0x3  }
0x2c: {  	[tilespmem:s19+$0xB000] =	vst v1  }
0x2d: {  	v1 =	vld.idx.msk [tilespmem:v49+s2+$0x0], $0xffff  }
0x2e: {  	v0 =	vadd.s32 $0x2, v0;
	_ =	sdelay $0x3  }
0x2f: {  	[tilespmem:s19+$0xB080] =	vst v1  }
0x30: {  	v0 =	vld.idx.msk [tilespmem:v0+s2+$0x0], $0xffff;
	_ =	sdelay $0x4  }
0x31: {  	[tilespmem:s19+$0xB100] =	vst v0  }
0x32: {  	v0 =	vld [tilespmem:s20+$0x6100];
	_ =	sdelay $0x4  }
0x33: {  	v0 =	vmul.u32 $0x3, v0;
	_ =	sdelay $0x5  }
0x34: {  	v1 =	vld.idx.msk [tilespmem:v0+s2+$0x0], $0xffff  }
0x35: {  	v50 =	vadd.s32 $0x1, v0;
	_ =	sdelay $0x3  }
0x36: {  	[tilespmem:s19+$0xC000] =	vst v1  }
0x37: {  	v1 =	vld.idx.msk [tilespmem:v50+s2+$0x0], $0xffff  }
0x38: {  	v0 =	vadd.s32 $0x2, v0;
	_ =	sdelay $0x3  }
0x39: {  	[tilespmem:s19+$0xC080] =	vst v1  }
0x3a: {  	v0 =	vld.idx.msk [tilespmem:v0+s2+$0x0], $0xffff;
	_ =	sdelay $0x4  }
0x3b: {  	[tilespmem:s19+$0xC100] =	vst v0  }
0x3c: {  	v0 =	vld [tilespmem:s20+$0x6180];
	_ =	sdelay $0x4  }
0x3d: {  	v0 =	vmul.u32 $0x3, v0;
	_ =	sdelay $0x5  }
0x3e: {  	v1 =	vld.idx.msk [tilespmem:v0+s2+$0x0], $0xffff  }
0x3f: {  	v51 =	vadd.s32 $0x1, v0;
	_ =	sdelay $0x3  }
0x40: {  	[tilespmem:s19+$0xD000] =	vst v1  }
0x41: {  	v1 =	vld.idx.msk [tilespmem:v51+s2+$0x0], $0xffff  }
0x42: {  	v0 =	vadd.s32 $0x2, v0;
	_ =	sdelay $0x3  }
0x43: {  	[tilespmem:s19+$0xD080] =	vst v1  }
0x44: {  	v0 =	vld.idx.msk [tilespmem:v0+s2+$0x0], $0xffff;
	_ =	sdelay $0x4  }
0x45: {  	[tilespmem:s19+$0xD100] =	vst v0  }
0x46: {  	v0 =	vld [tilespmem:s20+$0x6200];
	_ =	sdelay $0x4  }
0x47: {  	v0 =	vmul.u32 $0x3, v0;
	_ =	sdelay $0x5  }
0x48: {  	v1 =	vld.idx.msk [tilespmem:v0+s2+$0x0], $0xffff  }
0x49: {  	v52 =	vadd.s32 $0x1, v0;
	_ =	sdelay $0x3  }
0x4a: {  	[tilespmem:s19+$0xE000] =	vst v1  }
0x4b: {  	v1 =	vld.idx.msk [tilespmem:v52+s2+$0x0], $0xffff  }
0x4c: {  	v0 =	vadd.s32 $0x2, v0;
	_ =	sdelay $0x3  }
0x4d: {  	[tilespmem:s19+$0xE080] =	vst v1  }
0x4e: {  	v0 =	vld.idx.msk [tilespmem:v0+s2+$0x0], $0xffff;
	_ =	sdelay $0x4  }
0x4f: {  	[tilespmem:s19+$0xE100] =	vst v0  }
0x50: {  	v0 =	vld [tilespmem:s20+$0x6280];
	_ =	sdelay $0x4  }
0x51: {  	v0 =	vmul.u32 $0x3, v0;
	_ =	sdelay $0x5  }
0x52: {  	v1 =	vld.idx.msk [tilespmem:v0+s2+$0x0], $0xffff  }
0x53: {  	v53 =	vadd.s32 $0x1, v0;
	_ =	sdelay $0x3  }
0x54: {  	[tilespmem:s19+$0xF000] =	vst v1  }
0x55: {  	v1 =	vld.idx.msk [tilespmem:v53+s2+$0x0], $0xffff  }
0x56: {  	v0 =	vadd.s32 $0x2, v0;
	_ =	sdelay $0x3  }
0x57: {  	[tilespmem:s19+$0xF080] =	vst v1  }
0x58: {  	v0 =	vld.idx.msk [tilespmem:v0+s2+$0x0], $0xffff;
	_ =	sdelay $0x4  }
0x59: {  	[tilespmem:s19+$0xF100] =	vst v0  }
0x5a: {  	v0 =	vld [tilespmem:s20+$0x6300];
	_ =	sdelay $0x4  }
0x5b: {  	v0 =	vmul.u32 $0x3, v0;
	_ =	sdelay $0x5  }
0x5c: {  	v1 =	vld.idx.msk [tilespmem:v0+s2+$0x0], $0xffff  }
0x5d: {  	v54 =	vadd.s32 $0x1, v0;
	_ =	sdelay $0x3  }
0x5e: {  	[tilespmem:s19+$0x10000] =	vst v1  }
0x5f: {  	v1 =	vld.idx.msk [tilespmem:v54+s2+$0x0], $0xffff  }
0x60: {  	v0 =	vadd.s32 $0x2, v0;
	_ =	sdelay $0x3  }
0x61: {  	[tilespmem:s19+$0x10080] =	vst v1  }
0x62: {  	v0 =	vld.idx.msk [tilespmem:v0+s2+$0x0], $0xffff;
	_ =	sdelay $0x4  }
0x63: {  	[tilespmem:s19+$0x10100] =	vst v0  }
0x64: {  	v0 =	vld [tilespmem:s20+$0x6380];
	_ =	sdelay $0x4  }
0x65: {  	v0 =	vmul.u32 $0x3, v0;
	_ =	sdelay $0x5  }
0x66: {  	v1 =	vld.idx.msk [tilespmem:v0+s2+$0x0], $0xffff  }
0x67: {  	v55 =	vadd.s32 $0x1, v0;
	_ =	sdelay $0x3  }
0x68: {  	[tilespmem:s19+$0x11000] =	vst v1  }
0x69: {  	v1 =	vld.idx.msk [tilespmem:v55+s2+$0x0], $0xffff  }
0x6a: {  	v0 =	vadd.s32 $0x2, v0;
	_ =	sdelay $0x3  }
0x6b: {  	[tilespmem:s19+$0x11080] =	vst v1  }
0x6c: {  	v0 =	vld.idx.msk [tilespmem:v0+s2+$0x0], $0xffff;
	_ =	sdelay $0x4  }
0x6d: {  	[tilespmem:s19+$0x11100] =	vst v0  }
0x6e: {  	v0 =	vld [tilespmem:s20+$0x8000];
	_ =	sdelay $0x4  }
0x6f: {  	v0 =	vmul.u32 $0x3, v0;
	_ =	sdelay $0x5  }
0x70: {  	v1 =	vld.idx.msk [tilespmem:v0+s2+$0x0], $0xffff  }
0x71: {  	v56 =	vadd.s32 $0x1, v0;
	_ =	sdelay $0x3  }
0x72: {  	[tilespmem:s19+$0x12000] =	vst v1  }
0x73: {  	v1 =	vld.idx.msk [tilespmem:v56+s2+$0x0], $0xffff  }
0x74: {  	v0 =	vadd.s32 $0x2, v0;
	_ =	sdelay $0x3  }
0x75: {  	[tilespmem:s19+$0x12080] =	vst v1  }
0x76: {  	v0 =	vld.idx.msk [tilespmem:v0+s2+$0x0], $0xffff;
	_ =	sdelay $0x4  }
0x77: {  	[tilespmem:s19+$0x12100] =	vst v0  }
0x78: {  	v0 =	vld [tilespmem:s20+$0x8080];
	_ =	sdelay $0x4  }
0x79: {  	v0 =	vmul.u32 $0x3, v0;
	_ =	sdelay $0x5  }
0x7a: {  	v1 =	vld.idx.msk [tilespmem:v0+s2+$0x0], $0xffff  }
0x7b: {  	v57 =	vadd.s32 $0x1, v0;
	_ =	sdelay $0x3  }
0x7c: {  	[tilespmem:s19+$0x13000] =	vst v1  }
0x7d: {  	v1 =	vld.idx.msk [tilespmem:v57+s2+$0x0], $0xffff  }
0x7e: {  	v0 =	vadd.s32 $0x2, v0;
	_ =	sdelay $0x3  }
0x7f: {  	[tilespmem:s19+$0x13080] =	vst v1  }
0x80: {  	v0 =	vld.idx.msk [tilespmem:v0+s2+$0x0], $0xffff;
	_ =	sdelay $0x4  }
0x81: {  	[tilespmem:s19+$0x13100] =	vst v0  }
0x82: {  	v0 =	vld [tilespmem:s20+$0x8100];
	_ =	sdelay $0x4  }
0x83: {  	v0 =	vmul.u32 $0x3, v0;
	_ =	sdelay $0x5  }
0x84: {  	v1 =	vld.idx.msk [tilespmem:v0+s2+$0x0], $0xffff  }
0x85: {  	v58 =	vadd.s32 $0x1, v0;
	_ =	sdelay $0x3  }
0x86: {  	[tilespmem:s19+$0x14000] =	vst v1  }
0x87: {  	v1 =	vld.idx.msk [tilespmem:v58+s2+$0x0], $0xffff  }
0x88: {  	v0 =	vadd.s32 $0x2, v0;
	_ =	sdelay $0x3  }
0x89: {  	[tilespmem:s19+$0x14080] =	vst v1  }
0x8a: {  	v0 =	vld.idx.msk [tilespmem:v0+s2+$0x0], $0xffff;
	_ =	sdelay $0x4  }
0x8b: {  	[tilespmem:s19+$0x14100] =	vst v0  }
0x8c: {  	v0 =	vld [tilespmem:s20+$0x8180];
	_ =	sdelay $0x4  }
0x8d: {  	v0 =	vmul.u32 $0x3, v0;
	_ =	sdelay $0x5  }
0x8e: {  	v1 =	vld.idx.msk [tilespmem:v0+s2+$0x0], $0xffff  }
0x8f: {  	v59 =	vadd.s32 $0x1, v0;
	_ =	sdelay $0x3  }
0x90: {  	[tilespmem:s19+$0x15000] =	vst v1  }
0x91: {  	v1 =	vld.idx.msk [tilespmem:v59+s2+$0x0], $0xffff  }
0x92: {  	v0 =	vadd.s32 $0x2, v0;
	_ =	sdelay $0x3  }
0x93: {  	[tilespmem:s19+$0x15080] =	vst v1  }
0x94: {  	v0 =	vld.idx.msk [tilespmem:v0+s2+$0x0], $0xffff;
	_ =	sdelay $0x4  }
0x95: {  	[tilespmem:s19+$0x15100] =	vst v0  }
0x96: {  	v0 =	vld [tilespmem:s20+$0x8200];
	_ =	sdelay $0x4  }
0x97: {  	v0 =	vmul.u32 $0x3, v0;
	_ =	sdelay $0x5  }
0x98: {  	v1 =	vld.idx.msk [tilespmem:v0+s2+$0x0], $0xffff  }
0x99: {  	v60 =	vadd.s32 $0x1, v0;
	_ =	sdelay $0x3  }
0x9a: {  	[tilespmem:s19+$0x16000] =	vst v1  }
0x9b: {  	v1 =	vld.idx.msk [tilespmem:v60+s2+$0x0], $0xffff  }
0x9c: {  	v0 =	vadd.s32 $0x2, v0;
	_ =	sdelay $0x3  }
0x9d: {  	[tilespmem:s19+$0x16080] =	vst v1  }
0x9e: {  	v0 =	vld.idx.msk [tilespmem:v0+s2+$0x0], $0xffff;
	_ =	sdelay $0x4  }
0x9f: {  	[tilespmem:s19+$0x16100] =	vst v0  }
0xa0: {  	v0 =	vld [tilespmem:s20+$0x8280];
	_ =	sdelay $0x4  }
0xa1: {  	v0 =	vmul.u32 $0x3, v0;
	_ =	sdelay $0x5  }
0xa2: {  	v1 =	vld.idx.msk [tilespmem:v0+s2+$0x0], $0xffff  }
0xa3: {  	v61 =	vadd.s32 $0x1, v0;
	_ =	sdelay $0x3  }
0xa4: {  	[tilespmem:s19+$0x17000] =	vst v1  }
0xa5: {  	v1 =	vld.idx.msk [tilespmem:v61+s2+$0x0], $0xffff  }
0xa6: {  	v0 =	vadd.s32 $0x2, v0;
	_ =	sdelay $0x3  }
0xa7: {  	[tilespmem:s19+$0x17080] =	vst v1  }
0xa8: {  	v0 =	vld.idx.msk [tilespmem:v0+s2+$0x0], $0xffff;
	_ =	sdelay $0x4  }
0xa9: {  	[tilespmem:s19+$0x17100] =	vst v0  }
0xaa: {  	v0 =	vld [tilespmem:s20+$0x8300];
	_ =	sdelay $0x4  }
0xab: {  	v0 =	vmul.u32 $0x3, v0;
	_ =	sdelay $0x5  }
0xac: {  	v1 =	vld.idx.msk [tilespmem:v0+s2+$0x0], $0xffff  }
0xad: {  	v62 =	vadd.s32 $0x1, v0;
	_ =	sdelay $0x3  }
0xae: {  	[tilespmem:s19+$0x18000] =	vst v1  }
0xaf: {  	v1 =	vld.idx.msk [tilespmem:v62+s2+$0x0], $0xffff  }
0xb0: {  	v0 =	vadd.s32 $0x2, v0;
	_ =	sdelay $0x3  }
0xb1: {  	[tilespmem:s19+$0x18080] =	vst v1  }
0xb2: {  	v0 =	vld.idx.msk [tilespmem:v0+s2+$0x0], $0xffff;
	_ =	sdelay $0x4  }
0xb3: {  	[tilespmem:s19+$0x18100] =	vst v0  }
0xb4: {  	v0 =	vld [tilespmem:s20+$0x8380];
	_ =	sdelay $0x4  }
0xb5: {  	v0 =	vmul.u32 $0x3, v0;
	_ =	sdelay $0x5  }
0xb6: {  	v1 =	vld.idx.msk [tilespmem:v0+s2+$0x0], $0xffff  }
0xb7: {  	v63 =	vadd.s32 $0x1, v0;
	_ =	sdelay $0x3  }
0xb8: {  	[tilespmem:s19+$0x19000] =	vst v1  }
0xb9: {  	v1 =	vld.idx.msk [tilespmem:v63+s2+$0x0], $0xffff  }
0xba: {  	v0 =	vadd.s32 $0x2, v0;
	_ =	sdelay $0x3  }
0xbb: {  	[tilespmem:s19+$0x19080] =	vst v1  }
0xbc: {  	p0 =	sne.s32 s18, $0x3F;
	v0 =	vld.idx.msk [tilespmem:v0+s2+$0x0], $0xffff  }
.Ltmp0:
0xbd: {  	_ = 	snop;
	(pc) =	sbr.rel @p0 .LBB2_2-.Ltmp0, $2  }
0xbe: {  	_ =	sdelay $0x2  }
0xbf: {  	s17 =	sadd.s32 $0x10, s17;
	s18 =	sadd.s32 $0x1, s18;
	[tilespmem:s19+$0x19100] =	vst v0  }
0xc0: {  	s16 =	sadd.s32 $0x1, s16  }
0xc1: {  	p0 =	sne.s32 s16, s6  }
.Ltmp1:
0xc2: {  	_ = 	snop;
	(pc) =	sbr.rel @p0 .LBB2_1-.Ltmp1, $4  }
0xc3: {  	[hbm4b:s5+s13] =	stream.strided.scatter [tilespmem:s15], [sflag:$0x1], $0x10000, s14, s13, $0x38;
	[tilespmem:$0x1A000] =	vst v63  }
0xc4: {  	_ =	swait.ge [sflag:s9], $0x10000  }
0xc5: {  	[sflag:s9] =	ssyncset.done $0x0  }
0xc6: {  	[sflag:s9] =	ssyncadd.s32 $0xFFFF0000  }
0xc7: {  	_ =	sfence.sel $0x180000  }
0xc8: {  	[bflag:$0x0] =	sbarrier.arrive $0xFFFF  }
0xc9: {  	p0 =	sne.s32 s1, $0x0;
	_ =	strace $0x90000047  }
0xca: {  	s0 =	sadd.s32 @!p0 $0x100000, s0;
	[bflag:$0x2] =	sbarrier.arrive $0xFFFF  }
0xcb: {  	[sflag:s0] =	ssyncadd.tile.s32 @!p0 $0x1;
	_ =	shalt  }
.Lfunc_end2:
_tile_overlayer_lowered:
.L_overlay_start_2:
0xcc: {  	(tag) =	ssettag $0x2  }
0xcd: {  	s0 =	rddreg [dreg:$0x0];
	s2 =	stileid.u32  }
0xce: {  	s1 =	rddreg [dreg:$0x1];
	p0 =	sne.s32 s2, $0x0  }
0xcf: {  	s3 =	rddreg [dreg:$0x2];
	[bflag:$0x3] =	sbarrier.arrive $0xFFFF;
	s2 =	simm.s32 @!p0 $0x1C01  }
0xd0: {  	[timem:s3], [sflag:s2] =	dma.local @!p0 [hbm:s0], s1  }
0xd1: {  	s0 =	simm.s32 @!p0 $0x1  }
0xd2: {  	_ =	swait.ge @!p0 [sflag:s0], s1  }
0xd3: {  	s1 =	ssub.s32 @!p0 $0x0, s1;
	[sflag:s0] =	ssyncset.done @!p0 $0x0  }
0xd4: {  	[sflag:s0] =	ssyncadd.s32 @!p0 s1  }
0xd5: {  	[bflag:$0x3] =	sbarrier.arrive $0xFFFF  }
0xd6: {  	_ =	shalt  }

</sc_bundles>
